<compile_context>
chip_gen: v7x
topology: tpu7x:2x2x1
jax: 0.10.2.dev20260603
libtpu: 0.0.44.dev20260713+nightly
codegen_flags: <defaults>
</compile_context>

<pallas_src>
import functools

import jax
import jax.numpy as jnp
from jax import lax
from jax.experimental import pallas as pl
from jax.experimental.pallas import tpu as pltpu
from jax.experimental.pallas import tpu_sc as plsc

NUM_CORES = 2
NUM_SUBCORES = 16
LANES = 16
NW = NUM_CORES * NUM_SUBCORES

BATCH = 4096
FEAT = 512
NUM_CLASSES = 1000

TC_BLK = 512
B_SC = 1536
N_TC = (BATCH - B_SC) // TC_BLK

ROWS_PER_W = B_SC // NW
CHUNK = 16
NCHUNK = ROWS_PER_W // CHUNK
GROUPS = FEAT // LANES
UNROLL = 8
STEPS = GROUPS // UNROLL

_mesh = plsc.VectorSubcoreMesh(core_axis_name="c", subcore_axis_name="s",
                               num_cores=NUM_CORES,
                               num_subcores=NUM_SUBCORES)


@functools.partial(
    pl.kernel,
    out_type=jax.ShapeDtypeStruct((NW, LANES), jnp.float32),
    mesh=_mesh,
    scratch_types=[
        pltpu.VMEM((ROWS_PER_W,), jnp.int32),
        pltpu.VMEM((2, CHUNK, FEAT), jnp.float32),
        pltpu.VMEM((2, CHUNK, FEAT), jnp.float32),
        pltpu.VMEM((LANES,), jnp.float32),
        pltpu.SemaphoreType.DMA,
        pltpu.SemaphoreType.DMA,
    ],
)
def _sc_partials(features_hbm, labels_hbm, centers_hbm, out_hbm,
                 idx_v, feat_v, cent_v, acc_v, sem0, sem1):
    wid = lax.axis_index("s") * NUM_CORES + lax.axis_index("c")
    base = wid * ROWS_PER_W
    sems = (sem0, sem1)

    pltpu.sync_copy(labels_hbm.at[pl.ds(base, ROWS_PER_W)], idx_v)

    def issue(c):
        slot = c % 2
        g = pltpu.async_copy(
            centers_hbm.at[idx_v.at[pl.ds(c * CHUNK, CHUNK)]],
            cent_v.at[slot], sems[slot])
        f = pltpu.async_copy(
            features_hbm.at[pl.ds(base + c * CHUNK, CHUNK)],
            feat_v.at[slot], sems[slot])
        return g, f

    inflight = issue(0)
    accs = (jnp.zeros((LANES,), jnp.float32),) * 4
    for c in range(NCHUNK):
        nxt = issue(c + 1) if c + 1 < NCHUNK else None
        for d in inflight:
            d.wait()
        inflight = nxt
        fv = feat_v.at[c % 2]
        cv = cent_v.at[c % 2]

        def row_body(r, a):
            def step(q, aa):
                a0, a1, a2, a3 = aa
                off = q * UNROLL
                ds = []
                for j in range(UNROLL):
                    col = (off + j) * LANES
                    ds.append(fv[r, pl.ds(col, LANES)] -
                              cv[r, pl.ds(col, LANES)])
                a0 = a0 + ds[0] * ds[0] + ds[4] * ds[4]
                a1 = a1 + ds[1] * ds[1] + ds[5] * ds[5]
                a2 = a2 + ds[2] * ds[2] + ds[6] * ds[6]
                a3 = a3 + ds[3] * ds[3] + ds[7] * ds[7]
                return a0, a1, a2, a3

            return lax.fori_loop(0, STEPS, step, a)

        accs = lax.fori_loop(0, CHUNK, row_body, accs)

    acc_v[...] = (accs[0] + accs[1]) + (accs[2] + accs[3])
    pltpu.sync_copy(acc_v, out_hbm.at[wid])


def _tc_loss_block(f_ref, l_ref, c_ref, o_ref, cb_ref):
    @pl.when(pl.program_id(0) == 0)
    def _():
        o_ref[...] = jnp.zeros_like(o_ref)
        cb_ref[...] = c_ref[...].astype(jnp.bfloat16)

    lbl = l_ref[...]
    ks = lax.broadcasted_iota(jnp.int32, (NUM_CLASSES, TC_BLK), 0)
    oh_t = (ks == lbl[None, :]).astype(jnp.bfloat16)
    g = lax.dot_general(oh_t, cb_ref[...],
                        dimension_numbers=(((0,), (0,)), ((), ())),
                        preferred_element_type=jnp.float32)
    d = f_ref[...] - g
    val = jnp.sum(d * d)
    cell0 = jnp.logical_and(
        lax.broadcasted_iota(jnp.int32, (NW, LANES), 0) == 0,
        lax.broadcasted_iota(jnp.int32, (NW, LANES), 1) == 0)
    o_ref[...] += jnp.where(cell0, val, 0.0)


def _tc_loss(features, labels, centers, blk0, nblk):
    return pl.pallas_call(
        _tc_loss_block,
        grid=(nblk,),
        in_specs=[
            pl.BlockSpec((TC_BLK, FEAT), lambda i: (i + blk0, 0)),
            pl.BlockSpec((TC_BLK,), lambda i: (i + blk0,)),
            pl.BlockSpec((NUM_CLASSES, FEAT), lambda i: (0, 0)),
        ],
        out_specs=pl.BlockSpec((NW, LANES), lambda i: (0, 0)),
        out_shape=jax.ShapeDtypeStruct((NW, LANES), jnp.float32),
        scratch_shapes=[pltpu.VMEM((NUM_CLASSES, FEAT), jnp.bfloat16)],
    )(features, labels, centers)


def kernel(features, labels, centers):
    partials = _sc_partials(features, labels, centers)
    tc = _tc_loss(features, labels, centers, B_SC // TC_BLK, N_TC)
    return jnp.sum(partials + tc) * (0.5 / BATCH)

# --- scband reference (transcript-rebuilt; emitter-appended) ---
"""Pipeline reference for scband-center-loss-71829033059077 (READ-ONLY COPY).

The authoritative reference and input builder live on the scoring server;
editing this copy changes nothing except your own understanding.
"""

import jax, jax.numpy as jnp
import numpy as np

NUM_CLASSES = 1000
FEAT_DIM = 512
BATCH = 4096


def setup_inputs(seed: int = 0) -> dict:
    key = jax.random.key(seed)
    k1, k2, k3 = jax.random.split(key, 3)
    features = jax.random.normal(k1, (BATCH, FEAT_DIM), dtype=jnp.float32)
    labels = jax.random.randint(k2, (BATCH,), 0, NUM_CLASSES, dtype=jnp.int32)
    centers = jax.random.normal(k3, (NUM_CLASSES, FEAT_DIM), dtype=jnp.float32)
    return {"features": features, "labels": labels, "centers": centers}


def reference(features, labels, centers):
    batch_size = features.shape[0]
    f = features.reshape(batch_size, -1)
    centers_batch = jnp.take(centers, labels, axis=0)
    loss = jnp.sum((f - centers_batch) ** 2) / 2.0 / batch_size
    return loss

if __name__ == "__main__":
    import jax
    _d = setup_inputs()
    print(jax.jit(kernel)(*tuple(_d.values())))

</pallas_src>

<mosaic_0001>
#map = affine_map<(d0, d1) -> (0, 0)>
#map1 = affine_map<(d0, d1) -> (0)>
module attributes {stable_mosaic.version = 14 : i64} {
  func.func @_sc_partials(%arg0: i32, %arg1: i32, %arg2: memref<4096x512xf32, #tpu.memory_space<hbm>>, %arg3: memref<4096xi32, #tpu.memory_space<hbm>>, %arg4: memref<1000x512xf32, #tpu.memory_space<hbm>>, %arg5: memref<32x16xf32, #tpu.memory_space<hbm>>, %arg6: memref<48xi32, #tpu.memory_space<vmem>>, %arg7: memref<2x16x512xf32, #tpu.memory_space<vmem>>, %arg8: memref<2x16x512xf32, #tpu.memory_space<vmem>>, %arg9: memref<16xf32, #tpu.memory_space<vmem>>, %arg10: memref<!tpu.dma_semaphore, #tpu.memory_space<semaphore_mem>>, %arg11: memref<!tpu.dma_semaphore, #tpu.memory_space<semaphore_mem>>) attributes {dimension_semantics = [#tpu.dimension_semantics<core_parallel>, #tpu.dimension_semantics<subcore_parallel>], iteration_bounds = array<i64: 2, 16>, scalar_prefetch = 0 : i64, scratch_operands = 6 : i64, tpu.core_type = #tpu.core_type<sc_vector_subcore>, window_params = [{transform_indices = #map}, {transform_indices = #map1}, {transform_indices = #map}, {transform_indices = #map}]} {
    %mul3A = arith.constant 2 : i32
    %mul3A_0 = arith.muli %arg1, %mul3A : i32
    %add3A = arith.addi %mul3A_0, %arg0 : i32
    %mul3A_1 = arith.constant 48 : i32
    %mul3A_2 = arith.muli %add3A, %mul3A_1 : i32
    "tpu.region"() ({
      %run_scoped3A = tpu.sem_alloc : memref<!tpu.dma_semaphore, #tpu.memory_space<semaphore_mem>>
      %dma_start3A_175 = tpu.memref_slice %arg3[%mul3A_2] : memref<4096xi32, #tpu.memory_space<hbm>> -> memref<48xi32, #tpu.memory_space<hbm>>
      %dma_start3A_176 = tpu.memref_slice %arg3[%mul3A_2] : memref<4096xi32, #tpu.memory_space<hbm>> -> memref<48xi32, #tpu.memory_space<hbm>>
      tpu.enqueue_dma source(%dma_start3A_176 : memref<48xi32, #tpu.memory_space<hbm>>) target(%arg6 : memref<48xi32, #tpu.memory_space<vmem>>) target_semaphore(%run_scoped3A : memref<!tpu.dma_semaphore, #tpu.memory_space<semaphore_mem>>)
      %dma_wait3A_177 = tpu.memref_slice %arg3[%mul3A_2] : memref<4096xi32, #tpu.memory_space<hbm>> -> memref<48xi32, #tpu.memory_space<hbm>>
      %dma_wait3A_178 = tpu.memref_slice %arg3[%mul3A_2] : memref<4096xi32, #tpu.memory_space<hbm>> -> memref<48xi32, #tpu.memory_space<hbm>>
      tpu.wait_dma2 semaphore(%run_scoped3A : memref<!tpu.dma_semaphore, #tpu.memory_space<semaphore_mem>>) src(%dma_wait3A_178 : memref<48xi32, #tpu.memory_space<hbm>>) dst(%arg6 : memref<48xi32, #tpu.memory_space<vmem>>)
      tpu.yield
    }) : () -> ()
    %dma_start3A = arith.constant 0 : i32
    %dma_start3A_3 = arith.constant 0 : i32
    %dma_start3A_4 = arith.constant 0 : i32
    %dma_start3A_5 = tpu.memref_slice %arg8[%dma_start3A, %dma_start3A_3, %dma_start3A_4] : memref<2x16x512xf32, #tpu.memory_space<vmem>> -> memref<1x16x512xf32, #tpu.memory_space<vmem>>
    %dma_start3A_6 = tpu.memref_squeeze %dma_start3A_5 : memref<1x16x512xf32, #tpu.memory_space<vmem>> -> memref<16x512xf32, #tpu.memory_space<vmem>>
    %dma_start3A_7 = arith.constant 0 : i32
    %dma_start3A_8 = tpu.memref_slice %arg6[%dma_start3A_7] : memref<48xi32, #tpu.memory_space<vmem>> -> memref<16xi32, #tpu.memory_space<vmem>>
    %dma_start3A_9 = arith.constant 0 : i32
    %dma_start3A_10 = arith.constant 0 : i32
    %dma_start3A_11 = tpu.memref_slice %arg4[%dma_start3A_9, %dma_start3A_10] : memref<1000x512xf32, #tpu.memory_space<hbm>> -> memref<1000x512xf32, #tpu.memory_space<hbm>>
    tpu.enqueue_indirect_dma source(%dma_start3A_11 : memref<1000x512xf32, #tpu.memory_space<hbm>>) target(%dma_start3A_6 : memref<16x512xf32, #tpu.memory_space<vmem>>) offsets(%dma_start3A_8 : memref<16xi32, #tpu.memory_space<vmem>>) semaphore(%arg10 : memref<!tpu.dma_semaphore, #tpu.memory_space<semaphore_mem>>)
    %add3A_12 = arith.constant 0 : i32
    %add3A_13 = arith.addi %mul3A_2, %add3A_12 : i32
    %dma_start3A_14 = arith.constant 0 : i32
    %dma_start3A_15 = arith.constant 0 : i32
    %dma_start3A_16 = arith.constant 0 : i32
    %dma_start3A_17 = tpu.memref_slice %arg7[%dma_start3A_14, %dma_start3A_15, %dma_start3A_16] : memref<2x16x512xf32, #tpu.memory_space<vmem>> -> memref<1x16x512xf32, #tpu.memory_space<vmem>>
    %dma_start3A_18 = tpu.memref_squeeze %dma_start3A_17 : memref<1x16x512xf32, #tpu.memory_space<vmem>> -> memref<16x512xf32, #tpu.memory_space<vmem>>
    %dma_start3A_19 = arith.constant 0 : i32
    %dma_start3A_20 = tpu.memref_slice %arg2[%add3A_13, %dma_start3A_19] : memref<4096x512xf32, #tpu.memory_space<hbm>> -> memref<16x512xf32, #tpu.memory_space<hbm>>
    %dma_start3A_21 = arith.constant 0 : i32
    %dma_start3A_22 = arith.constant 0 : i32
    %dma_start3A_23 = tpu.memref_slice %arg7[%dma_start3A_14, %dma_start3A_21, %dma_start3A_22] : memref<2x16x512xf32, #tpu.memory_space<vmem>> -> memref<1x16x512xf32, #tpu.memory_space<vmem>>
    %dma_start3A_24 = tpu.memref_squeeze %dma_start3A_23 : memref<1x16x512xf32, #tpu.memory_space<vmem>> -> memref<16x512xf32, #tpu.memory_space<vmem>>
    %dma_start3A_25 = arith.constant 0 : i32
    %dma_start3A_26 = tpu.memref_slice %arg2[%add3A_13, %dma_start3A_25] : memref<4096x512xf32, #tpu.memory_space<hbm>> -> memref<16x512xf32, #tpu.memory_space<hbm>>
    tpu.enqueue_dma source(%dma_start3A_26 : memref<16x512xf32, #tpu.memory_space<hbm>>) target(%dma_start3A_24 : memref<16x512xf32, #tpu.memory_space<vmem>>) target_semaphore(%arg10 : memref<!tpu.dma_semaphore, #tpu.memory_space<semaphore_mem>>)
    %broadcast_in_dim3A = arith.constant 0.000000e+00 : f32
    %broadcast_in_dim3A_27 = vector.broadcast %broadcast_in_dim3A : f32 to vector<16xf32>
    %dma_start3A_28 = arith.constant 1 : i32
    %dma_start3A_29 = arith.constant 0 : i32
    %dma_start3A_30 = arith.constant 0 : i32
    %dma_start3A_31 = tpu.memref_slice %arg8[%dma_start3A_28, %dma_start3A_29, %dma_start3A_30] : memref<2x16x512xf32, #tpu.memory_space<vmem>> -> memref<1x16x512xf32, #tpu.memory_space<vmem>>
    %dma_start3A_32 = tpu.memref_squeeze %dma_start3A_31 : memref<1x16x512xf32, #tpu.memory_space<vmem>> -> memref<16x512xf32, #tpu.memory_space<vmem>>
    %dma_start3A_33 = arith.constant 16 : i32
    %dma_start3A_34 = tpu.memref_slice %arg6[%dma_start3A_33] : memref<48xi32, #tpu.memory_space<vmem>> -> memref<16xi32, #tpu.memory_space<vmem>>
    %dma_start3A_35 = arith.constant 0 : i32
    %dma_start3A_36 = arith.constant 0 : i32
    %dma_start3A_37 = tpu.memref_slice %arg4[%dma_start3A_35, %dma_start3A_36] : memref<1000x512xf32, #tpu.memory_space<hbm>> -> memref<1000x512xf32, #tpu.memory_space<hbm>>
    tpu.enqueue_indirect_dma source(%dma_start3A_37 : memref<1000x512xf32, #tpu.memory_space<hbm>>) target(%dma_start3A_32 : memref<16x512xf32, #tpu.memory_space<vmem>>) offsets(%dma_start3A_34 : memref<16xi32, #tpu.memory_space<vmem>>) semaphore(%arg11 : memref<!tpu.dma_semaphore, #tpu.memory_space<semaphore_mem>>)
    %add3A_38 = arith.constant 16 : i32
    %add3A_39 = arith.addi %mul3A_2, %add3A_38 : i32
    %dma_start3A_40 = arith.constant 1 : i32
    %dma_start3A_41 = arith.constant 0 : i32
    %dma_start3A_42 = arith.constant 0 : i32
    %dma_start3A_43 = tpu.memref_slice %arg7[%dma_start3A_40, %dma_start3A_41, %dma_start3A_42] : memref<2x16x512xf32, #tpu.memory_space<vmem>> -> memref<1x16x512xf32, #tpu.memory_space<vmem>>
    %dma_start3A_44 = tpu.memref_squeeze %dma_start3A_43 : memref<1x16x512xf32, #tpu.memory_space<vmem>> -> memref<16x512xf32, #tpu.memory_space<vmem>>
    %dma_start3A_45 = arith.constant 0 : i32
    %dma_start3A_46 = tpu.memref_slice %arg2[%add3A_39, %dma_start3A_45] : memref<4096x512xf32, #tpu.memory_space<hbm>> -> memref<16x512xf32, #tpu.memory_space<hbm>>
    %dma_start3A_47 = arith.constant 0 : i32
    %dma_start3A_48 = arith.constant 0 : i32
    %dma_start3A_49 = tpu.memref_slice %arg7[%dma_start3A_40, %dma_start3A_47, %dma_start3A_48] : memref<2x16x512xf32, #tpu.memory_space<vmem>> -> memref<1x16x512xf32, #tpu.memory_space<vmem>>
    %dma_start3A_50 = tpu.memref_squeeze %dma_start3A_49 : memref<1x16x512xf32, #tpu.memory_space<vmem>> -> memref<16x512xf32, #tpu.memory_space<vmem>>
    %dma_start3A_51 = arith.constant 0 : i32
    %dma_start3A_52 = tpu.memref_slice %arg2[%add3A_39, %dma_start3A_51] : memref<4096x512xf32, #tpu.memory_space<hbm>> -> memref<16x512xf32, #tpu.memory_space<hbm>>
    tpu.enqueue_dma source(%dma_start3A_52 : memref<16x512xf32, #tpu.memory_space<hbm>>) target(%dma_start3A_50 : memref<16x512xf32, #tpu.memory_space<vmem>>) target_semaphore(%arg11 : memref<!tpu.dma_semaphore, #tpu.memory_space<semaphore_mem>>)
    %dma_wait3A = arith.constant 0 : i32
    %dma_wait3A_53 = arith.constant 0 : i32
    %dma_wait3A_54 = arith.constant 0 : i32
    %dma_wait3A_55 = tpu.memref_slice %arg8[%dma_wait3A, %dma_wait3A_53, %dma_wait3A_54] : memref<2x16x512xf32, #tpu.memory_space<vmem>> -> memref<1x16x512xf32, #tpu.memory_space<vmem>>
    %dma_wait3A_56 = tpu.memref_squeeze %dma_wait3A_55 : memref<1x16x512xf32, #tpu.memory_space<vmem>> -> memref<16x512xf32, #tpu.memory_space<vmem>>
    %dma_wait3A_57 = arith.constant 0 : i32
    %dma_wait3A_58 = tpu.memref_slice %arg6[%dma_wait3A_57] : memref<48xi32, #tpu.memory_space<vmem>> -> memref<16xi32, #tpu.memory_space<vmem>>
    %dma_wait3A_59 = arith.constant 0 : i32
    %dma_wait3A_60 = arith.constant 0 : i32
    %dma_wait3A_61 = tpu.memref_slice %arg4[%dma_wait3A_59, %dma_wait3A_60] : memref<1000x512xf32, #tpu.memory_space<hbm>> -> memref<1000x512xf32, #tpu.memory_space<hbm>>
    tpu.wait_indirect_dma semaphore(%arg10 : memref<!tpu.dma_semaphore, #tpu.memory_space<semaphore_mem>>) src(%dma_wait3A_61 : memref<1000x512xf32, #tpu.memory_space<hbm>>) dst(%dma_wait3A_56 : memref<16x512xf32, #tpu.memory_space<vmem>>)
    %dma_wait3A_62 = arith.constant 0 : i32
    %dma_wait3A_63 = arith.constant 0 : i32
    %dma_wait3A_64 = arith.constant 0 : i32
    %dma_wait3A_65 = tpu.memref_slice %arg7[%dma_wait3A_62, %dma_wait3A_63, %dma_wait3A_64] : memref<2x16x512xf32, #tpu.memory_space<vmem>> -> memref<1x16x512xf32, #tpu.memory_space<vmem>>
    %dma_wait3A_66 = tpu.memref_squeeze %dma_wait3A_65 : memref<1x16x512xf32, #tpu.memory_space<vmem>> -> memref<16x512xf32, #tpu.memory_space<vmem>>
    %dma_wait3A_67 = arith.constant 0 : i32
    %dma_wait3A_68 = tpu.memref_slice %arg2[%add3A_13, %dma_wait3A_67] : memref<4096x512xf32, #tpu.memory_space<hbm>> -> memref<16x512xf32, #tpu.memory_space<hbm>>
    %dma_wait3A_69 = arith.constant 0 : i32
    %dma_wait3A_70 = arith.constant 0 : i32
    %dma_wait3A_71 = tpu.memref_slice %arg7[%dma_wait3A_62, %dma_wait3A_69, %dma_wait3A_70] : memref<2x16x512xf32, #tpu.memory_space<vmem>> -> memref<1x16x512xf32, #tpu.memory_space<vmem>>
    %dma_wait3A_72 = tpu.memref_squeeze %dma_wait3A_71 : memref<1x16x512xf32, #tpu.memory_space<vmem>> -> memref<16x512xf32, #tpu.memory_space<vmem>>
    %dma_wait3A_73 = arith.constant 0 : i32
    %dma_wait3A_74 = tpu.memref_slice %arg2[%add3A_13, %dma_wait3A_73] : memref<4096x512xf32, #tpu.memory_space<hbm>> -> memref<16x512xf32, #tpu.memory_space<hbm>>
    tpu.wait_dma2 semaphore(%arg10 : memref<!tpu.dma_semaphore, #tpu.memory_space<semaphore_mem>>) src(%dma_wait3A_74 : memref<16x512xf32, #tpu.memory_space<hbm>>) dst(%dma_wait3A_72 : memref<16x512xf32, #tpu.memory_space<vmem>>)
    %scan3A = arith.constant 0 : i32
    %scan3A_75 = arith.constant 0 : i32
    %scan3A_76 = arith.constant 0 : i32
    %scan3A_77 = arith.constant 16 : i32
    %scan3A_78 = arith.addi %scan3A_76, %scan3A_77 : i32
    %scan3A_79 = arith.constant 1 : i32
    %scan3A_80:4 = scf.for %scan3A_175 = %scan3A_76 to %scan3A_78 step %scan3A_79 iter_args(%scan3A_176 = %broadcast_in_dim3A_27, %scan3A_177 = %broadcast_in_dim3A_27, %scan3A_178 = %broadcast_in_dim3A_27, %scan3A_179 = %broadcast_in_dim3A_27) -> (vector<16xf32>, vector<16xf32>, vector<16xf32>, vector<16xf32>)  : i32 {
      %scan3A_180 = arith.constant 0 : i32
      %scan3A_181 = arith.constant 4 : i32
      %scan3A_182 = arith.addi %scan3A_180, %scan3A_181 : i32
      %scan3A_183 = arith.constant 1 : i32
      %scan3A_184:4 = scf.for %scan3A_186 = %scan3A_180 to %scan3A_182 step %scan3A_183 iter_args(%scan3A_187 = %scan3A_176, %scan3A_188 = %scan3A_177, %scan3A_189 = %scan3A_178, %scan3A_190 = %scan3A_179) -> (vector<16xf32>, vector<16xf32>, vector<16xf32>, vector<16xf32>)  : i32 {
        %mul3A_191 = arith.constant 8 : i32
        %mul3A_192 = arith.muli %scan3A_186, %mul3A_191 : i32
        %add3A_193 = arith.constant 0 : i32
        %add3A_194 = arith.addi %mul3A_192, %add3A_193 : i32
        %mul3A_195 = arith.constant 16 : i32
        %mul3A_196 = arith.muli %add3A_194, %mul3A_195 : i32
        %get3A = arith.constant 0 : i32
        %get3A_197 = arith.constant 0 : i32
        %get3A_198 = tpu.memref_slice %arg7[%scan3A, %get3A, %get3A_197] : memref<2x16x512xf32, #tpu.memory_space<vmem>> -> memref<1x16x512xf32, #tpu.memory_space<vmem>>
        %get3A_199 = tpu.memref_squeeze %get3A_198 : memref<1x16x512xf32, #tpu.memory_space<vmem>> -> memref<16x512xf32, #tpu.memory_space<vmem>>
        %get3A_200 = arith.index_cast %scan3A_175 : i32 to index
        %get3A_201 = arith.index_cast %mul3A_196 : i32 to index
        %get3A_202 = tpu.vector_load %get3A_199[%get3A_200, %get3A_201] {strides = array<i32>} : memref<16x512xf32, #tpu.memory_space<vmem>>, vector<1x16xf32>,
        %get3A_203 = vector.shape_cast %get3A_202 : vector<1x16xf32> to vector<16xf32>
        %get3A_204 = arith.constant 0 : i32
        %get3A_205 = arith.constant 0 : i32
        %get3A_206 = tpu.memref_slice %arg8[%scan3A_75, %get3A_204, %get3A_205] : memref<2x16x512xf32, #tpu.memory_space<vmem>> -> memref<1x16x512xf32, #tpu.memory_space<vmem>>
        %get3A_207 = tpu.memref_squeeze %get3A_206 : memref<1x16x512xf32, #tpu.memory_space<vmem>> -> memref<16x512xf32, #tpu.memory_space<vmem>>
        %get3A_208 = arith.index_cast %scan3A_175 : i32 to index
        %get3A_209 = arith.index_cast %mul3A_196 : i32 to index
        %get3A_210 = tpu.vector_load %get3A_207[%get3A_208, %get3A_209] {strides = array<i32>} : memref<16x512xf32, #tpu.memory_space<vmem>>, vector<1x16xf32>,
        %get3A_211 = vector.shape_cast %get3A_210 : vector<1x16xf32> to vector<16xf32>
        %sub3A = arith.subf %get3A_203, %get3A_211 : vector<16xf32>
        %add3A_212 = arith.constant 1 : i32
        %add3A_213 = arith.addi %mul3A_192, %add3A_212 : i32
        %mul3A_214 = arith.constant 16 : i32
        %mul3A_215 = arith.muli %add3A_213, %mul3A_214 : i32
        %get3A_216 = arith.constant 0 : i32
        %get3A_217 = arith.constant 0 : i32
        %get3A_218 = tpu.memref_slice %arg7[%scan3A, %get3A_216, %get3A_217] : memref<2x16x512xf32, #tpu.memory_space<vmem>> -> memref<1x16x512xf32, #tpu.memory_space<vmem>>
        %get3A_219 = tpu.memref_squeeze %get3A_218 : memref<1x16x512xf32, #tpu.memory_space<vmem>> -> memref<16x512xf32, #tpu.memory_space<vmem>>
        %get3A_220 = arith.index_cast %scan3A_175 : i32 to index
        %get3A_221 = arith.index_cast %mul3A_215 : i32 to index
        %get3A_222 = tpu.vector_load %get3A_219[%get3A_220, %get3A_221] {strides = array<i32>} : memref<16x512xf32, #tpu.memory_space<vmem>>, vector<1x16xf32>,
        %get3A_223 = vector.shape_cast %get3A_222 : vector<1x16xf32> to vector<16xf32>
        %get3A_224 = arith.constant 0 : i32
        %get3A_225 = arith.constant 0 : i32
        %get3A_226 = tpu.memref_slice %arg8[%scan3A_75, %get3A_224, %get3A_225] : memref<2x16x512xf32, #tpu.memory_space<vmem>> -> memref<1x16x512xf32, #tpu.memory_space<vmem>>
        %get3A_227 = tpu.memref_squeeze %get3A_226 : memref<1x16x512xf32, #tpu.memory_space<vmem>> -> memref<16x512xf32, #tpu.memory_space<vmem>>
        %get3A_228 = arith.index_cast %scan3A_175 : i32 to index
        %get3A_229 = arith.index_cast %mul3A_215 : i32 to index
        %get3A_230 = tpu.vector_load %get3A_227[%get3A_228, %get3A_229] {strides = array<i32>} : memref<16x512xf32, #tpu.memory_space<vmem>>, vector<1x16xf32>,
        %get3A_231 = vector.shape_cast %get3A_230 : vector<1x16xf32> to vector<16xf32>
        %sub3A_232 = arith.subf %get3A_223, %get3A_231 : vector<16xf32>
        %add3A_233 = arith.constant 2 : i32
        %add3A_234 = arith.addi %mul3A_192, %add3A_233 : i32
        %mul3A_235 = arith.constant 16 : i32
        %mul3A_236 = arith.muli %add3A_234, %mul3A_235 : i32
        %get3A_237 = arith.constant 0 : i32
        %get3A_238 = arith.constant 0 : i32
        %get3A_239 = tpu.memref_slice %arg7[%scan3A, %get3A_237, %get3A_238] : memref<2x16x512xf32, #tpu.memory_space<vmem>> -> memref<1x16x512xf32, #tpu.memory_space<vmem>>
        %get3A_240 = tpu.memref_squeeze %get3A_239 : memref<1x16x512xf32, #tpu.memory_space<vmem>> -> memref<16x512xf32, #tpu.memory_space<vmem>>
        %get3A_241 = arith.index_cast %scan3A_175 : i32 to index
        %get3A_242 = arith.index_cast %mul3A_236 : i32 to index
        %get3A_243 = tpu.vector_load %get3A_240[%get3A_241, %get3A_242] {strides = array<i32>} : memref<16x512xf32, #tpu.memory_space<vmem>>, vector<1x16xf32>,
        %get3A_244 = vector.shape_cast %get3A_243 : vector<1x16xf32> to vector<16xf32>
        %get3A_245 = arith.constant 0 : i32
        %get3A_246 = arith.constant 0 : i32
        %get3A_247 = tpu.memref_slice %arg8[%scan3A_75, %get3A_245, %get3A_246] : memref<2x16x512xf32, #tpu.memory_space<vmem>> -> memref<1x16x512xf32, #tpu.memory_space<vmem>>
        %get3A_248 = tpu.memref_squeeze %get3A_247 : memref<1x16x512xf32, #tpu.memory_space<vmem>> -> memref<16x512xf32, #tpu.memory_space<vmem>>
        %get3A_249 = arith.index_cast %scan3A_175 : i32 to index
        %get3A_250 = arith.index_cast %mul3A_236 : i32 to index
        %get3A_251 = tpu.vector_load %get3A_248[%get3A_249, %get3A_250] {strides = array<i32>} : memref<16x512xf32, #tpu.memory_space<vmem>>, vector<1x16xf32>,
        %get3A_252 = vector.shape_cast %get3A_251 : vector<1x16xf32> to vector<16xf32>
        %sub3A_253 = arith.subf %get3A_244, %get3A_252 : vector<16xf32>
        %add3A_254 = arith.constant 3 : i32
        %add3A_255 = arith.addi %mul3A_192, %add3A_254 : i32
        %mul3A_256 = arith.constant 16 : i32
        %mul3A_257 = arith.muli %add3A_255, %mul3A_256 : i32
        %get3A_258 = arith.constant 0 : i32
        %get3A_259 = arith.constant 0 : i32
        %get3A_260 = tpu.memref_slice %arg7[%scan3A, %get3A_258, %get3A_259] : memref<2x16x512xf32, #tpu.memory_space<vmem>> -> memref<1x16x512xf32, #tpu.memory_space<vmem>>
        %get3A_261 = tpu.memref_squeeze %get3A_260 : memref<1x16x512xf32, #tpu.memory_space<vmem>> -> memref<16x512xf32, #tpu.memory_space<vmem>>
        %get3A_262 = arith.index_cast %scan3A_175 : i32 to index
        %get3A_263 = arith.index_cast %mul3A_257 : i32 to index
        %get3A_264 = tpu.vector_load %get3A_261[%get3A_262, %get3A_263] {strides = array<i32>} : memref<16x512xf32, #tpu.memory_space<vmem>>, vector<1x16xf32>,
        %get3A_265 = vector.shape_cast %get3A_264 : vector<1x16xf32> to vector<16xf32>
        %get3A_266 = arith.constant 0 : i32
        %get3A_267 = arith.constant 0 : i32
        %get3A_268 = tpu.memref_slice %arg8[%scan3A_75, %get3A_266, %get3A_267] : memref<2x16x512xf32, #tpu.memory_space<vmem>> -> memref<1x16x512xf32, #tpu.memory_space<vmem>>
        %get3A_269 = tpu.memref_squeeze %get3A_268 : memref<1x16x512xf32, #tpu.memory_space<vmem>> -> memref<16x512xf32, #tpu.memory_space<vmem>>
        %get3A_270 = arith.index_cast %scan3A_175 : i32 to index
        %get3A_271 = arith.index_cast %mul3A_257 : i32 to index
        %get3A_272 = tpu.vector_load %get3A_269[%get3A_270, %get3A_271] {strides = array<i32>} : memref<16x512xf32, #tpu.memory_space<vmem>>, vector<1x16xf32>,
        %get3A_273 = vector.shape_cast %get3A_272 : vector<1x16xf32> to vector<16xf32>
        %sub3A_274 = arith.subf %get3A_265, %get3A_273 : vector<16xf32>
        %add3A_275 = arith.constant 4 : i32
        %add3A_276 = arith.addi %mul3A_192, %add3A_275 : i32
        %mul3A_277 = arith.constant 16 : i32
        %mul3A_278 = arith.muli %add3A_276, %mul3A_277 : i32
        %get3A_279 = arith.constant 0 : i32
        %get3A_280 = arith.constant 0 : i32
        %get3A_281 = tpu.memref_slice %arg7[%scan3A, %get3A_279, %get3A_280] : memref<2x16x512xf32, #tpu.memory_space<vmem>> -> memref<1x16x512xf32, #tpu.memory_space<vmem>>
        %get3A_282 = tpu.memref_squeeze %get3A_281 : memref<1x16x512xf32, #tpu.memory_space<vmem>> -> memref<16x512xf32, #tpu.memory_space<vmem>>
        %get3A_283 = arith.index_cast %scan3A_175 : i32 to index
        %get3A_284 = arith.index_cast %mul3A_278 : i32 to index
        %get3A_285 = tpu.vector_load %get3A_282[%get3A_283, %get3A_284] {strides = array<i32>} : memref<16x512xf32, #tpu.memory_space<vmem>>, vector<1x16xf32>,
        %get3A_286 = vector.shape_cast %get3A_285 : vector<1x16xf32> to vector<16xf32>
        %get3A_287 = arith.constant 0 : i32
        %get3A_288 = arith.constant 0 : i32
        %get3A_289 = tpu.memref_slice %arg8[%scan3A_75, %get3A_287, %get3A_288] : memref<2x16x512xf32, #tpu.memory_space<vmem>> -> memref<1x16x512xf32, #tpu.memory_space<vmem>>
        %get3A_290 = tpu.memref_squeeze %get3A_289 : memref<1x16x512xf32, #tpu.memory_space<vmem>> -> memref<16x512xf32, #tpu.memory_space<vmem>>
        %get3A_291 = arith.index_cast %scan3A_175 : i32 to index
        %get3A_292 = arith.index_cast %mul3A_278 : i32 to index
        %get3A_293 = tpu.vector_load %get3A_290[%get3A_291, %get3A_292] {strides = array<i32>} : memref<16x512xf32, #tpu.memory_space<vmem>>, vector<1x16xf32>,
        %get3A_294 = vector.shape_cast %get3A_293 : vector<1x16xf32> to vector<16xf32>
        %sub3A_295 = arith.subf %get3A_286, %get3A_294 : vector<16xf32>
        %add3A_296 = arith.constant 5 : i32
        %add3A_297 = arith.addi %mul3A_192, %add3A_296 : i32
        %mul3A_298 = arith.constant 16 : i32
        %mul3A_299 = arith.muli %add3A_297, %mul3A_298 : i32
        %get3A_300 = arith.constant 0 : i32
        %get3A_301 = arith.constant 0 : i32
        %get3A_302 = tpu.memref_slice %arg7[%scan3A, %get3A_300, %get3A_301] : memref<2x16x512xf32, #tpu.memory_space<vmem>> -> memref<1x16x512xf32, #tpu.memory_space<vmem>>
        %get3A_303 = tpu.memref_squeeze %get3A_302 : memref<1x16x512xf32, #tpu.memory_space<vmem>> -> memref<16x512xf32, #tpu.memory_space<vmem>>
        %get3A_304 = arith.index_cast %scan3A_175 : i32 to index
        %get3A_305 = arith.index_cast %mul3A_299 : i32 to index
        %get3A_306 = tpu.vector_load %get3A_303[%get3A_304, %get3A_305] {strides = array<i32>} : memref<16x512xf32, #tpu.memory_space<vmem>>, vector<1x16xf32>,
        %get3A_307 = vector.shape_cast %get3A_306 : vector<1x16xf32> to vector<16xf32>
        %get3A_308 = arith.constant 0 : i32
        %get3A_309 = arith.constant 0 : i32
        %get3A_310 = tpu.memref_slice %arg8[%scan3A_75, %get3A_308, %get3A_309] : memref<2x16x512xf32, #tpu.memory_space<vmem>> -> memref<1x16x512xf32, #tpu.memory_space<vmem>>
        %get3A_311 = tpu.memref_squeeze %get3A_310 : memref<1x16x512xf32, #tpu.memory_space<vmem>> -> memref<16x512xf32, #tpu.memory_space<vmem>>
        %get3A_312 = arith.index_cast %scan3A_175 : i32 to index
        %get3A_313 = arith.index_cast %mul3A_299 : i32 to index
        %get3A_314 = tpu.vector_load %get3A_311[%get3A_312, %get3A_313] {strides = array<i32>} : memref<16x512xf32, #tpu.memory_space<vmem>>, vector<1x16xf32>,
        %get3A_315 = vector.shape_cast %get3A_314 : vector<1x16xf32> to vector<16xf32>
        %sub3A_316 = arith.subf %get3A_307, %get3A_315 : vector<16xf32>
        %add3A_317 = arith.constant 6 : i32
        %add3A_318 = arith.addi %mul3A_192, %add3A_317 : i32
        %mul3A_319 = arith.constant 16 : i32
        %mul3A_320 = arith.muli %add3A_318, %mul3A_319 : i32
        %get3A_321 = arith.constant 0 : i32
        %get3A_322 = arith.constant 0 : i32
        %get3A_323 = tpu.memref_slice %arg7[%scan3A, %get3A_321, %get3A_322] : memref<2x16x512xf32, #tpu.memory_space<vmem>> -> memref<1x16x512xf32, #tpu.memory_space<vmem>>
        %get3A_324 = tpu.memref_squeeze %get3A_323 : memref<1x16x512xf32, #tpu.memory_space<vmem>> -> memref<16x512xf32, #tpu.memory_space<vmem>>
        %get3A_325 = arith.index_cast %scan3A_175 : i32 to index
        %get3A_326 = arith.index_cast %mul3A_320 : i32 to index
        %get3A_327 = tpu.vector_load %get3A_324[%get3A_325, %get3A_326] {strides = array<i32>} : memref<16x512xf32, #tpu.memory_space<vmem>>, vector<1x16xf32>,
        %get3A_328 = vector.shape_cast %get3A_327 : vector<1x16xf32> to vector<16xf32>
        %get3A_329 = arith.constant 0 : i32
        %get3A_330 = arith.constant 0 : i32
        %get3A_331 = tpu.memref_slice %arg8[%scan3A_75, %get3A_329, %get3A_330] : memref<2x16x512xf32, #tpu.memory_space<vmem>> -> memref<1x16x512xf32, #tpu.memory_space<vmem>>
        %get3A_332 = tpu.memref_squeeze %get3A_331 : memref<1x16x512xf32, #tpu.memory_space<vmem>> -> memref<16x512xf32, #tpu.memory_space<vmem>>
        %get3A_333 = arith.index_cast %scan3A_175 : i32 to index
        %get3A_334 = arith.index_cast %mul3A_320 : i32 to index
        %get3A_335 = tpu.vector_load %get3A_332[%get3A_333, %get3A_334] {strides = array<i32>} : memref<16x512xf32, #tpu.memory_space<vmem>>, vector<1x16xf32>,
        %get3A_336 = vector.shape_cast %get3A_335 : vector<1x16xf32> to vector<16xf32>
        %sub3A_337 = arith.subf %get3A_328, %get3A_336 : vector<16xf32>
        %add3A_338 = arith.constant 7 : i32
        %add3A_339 = arith.addi %mul3A_192, %add3A_338 : i32
        %mul3A_340 = arith.constant 16 : i32
        %mul3A_341 = arith.muli %add3A_339, %mul3A_340 : i32
        %get3A_342 = arith.constant 0 : i32
        %get3A_343 = arith.constant 0 : i32
        %get3A_344 = tpu.memref_slice %arg7[%scan3A, %get3A_342, %get3A_343] : memref<2x16x512xf32, #tpu.memory_space<vmem>> -> memref<1x16x512xf32, #tpu.memory_space<vmem>>
        %get3A_345 = tpu.memref_squeeze %get3A_344 : memref<1x16x512xf32, #tpu.memory_space<vmem>> -> memref<16x512xf32, #tpu.memory_space<vmem>>
        %get3A_346 = arith.index_cast %scan3A_175 : i32 to index
        %get3A_347 = arith.index_cast %mul3A_341 : i32 to index
        %get3A_348 = tpu.vector_load %get3A_345[%get3A_346, %get3A_347] {strides = array<i32>} : memref<16x512xf32, #tpu.memory_space<vmem>>, vector<1x16xf32>,
        %get3A_349 = vector.shape_cast %get3A_348 : vector<1x16xf32> to vector<16xf32>
        %get3A_350 = arith.constant 0 : i32
        %get3A_351 = arith.constant 0 : i32
        %get3A_352 = tpu.memref_slice %arg8[%scan3A_75, %get3A_350, %get3A_351] : memref<2x16x512xf32, #tpu.memory_space<vmem>> -> memref<1x16x512xf32, #tpu.memory_space<vmem>>
        %get3A_353 = tpu.memref_squeeze %get3A_352 : memref<1x16x512xf32, #tpu.memory_space<vmem>> -> memref<16x512xf32, #tpu.memory_space<vmem>>
        %get3A_354 = arith.index_cast %scan3A_175 : i32 to index
        %get3A_355 = arith.index_cast %mul3A_341 : i32 to index
        %get3A_356 = tpu.vector_load %get3A_353[%get3A_354, %get3A_355] {strides = array<i32>} : memref<16x512xf32, #tpu.memory_space<vmem>>, vector<1x16xf32>,
        %get3A_357 = vector.shape_cast %get3A_356 : vector<1x16xf32> to vector<16xf32>
        %sub3A_358 = arith.subf %get3A_349, %get3A_357 : vector<16xf32>
        %mul3A_359 = arith.mulf %sub3A, %sub3A : vector<16xf32>
        %add3A_360 = arith.addf %scan3A_187, %mul3A_359 : vector<16xf32>
        %mul3A_361 = arith.mulf %sub3A_295, %sub3A_295 : vector<16xf32>
        %add3A_362 = arith.addf %add3A_360, %mul3A_361 : vector<16xf32>
        %mul3A_363 = arith.mulf %sub3A_232, %sub3A_232 : vector<16xf32>
        %add3A_364 = arith.addf %scan3A_188, %mul3A_363 : vector<16xf32>
        %mul3A_365 = arith.mulf %sub3A_316, %sub3A_316 : vector<16xf32>
        %add3A_366 = arith.addf %add3A_364, %mul3A_365 : vector<16xf32>
        %mul3A_367 = arith.mulf %sub3A_253, %sub3A_253 : vector<16xf32>
        %add3A_368 = arith.addf %scan3A_189, %mul3A_367 : vector<16xf32>
        %mul3A_369 = arith.mulf %sub3A_337, %sub3A_337 : vector<16xf32>
        %add3A_370 = arith.addf %add3A_368, %mul3A_369 : vector<16xf32>
        %mul3A_371 = arith.mulf %sub3A_274, %sub3A_274 : vector<16xf32>
        %add3A_372 = arith.addf %scan3A_190, %mul3A_371 : vector<16xf32>
        %mul3A_373 = arith.mulf %sub3A_358, %sub3A_358 : vector<16xf32>
        %add3A_374 = arith.addf %add3A_372, %mul3A_373 : vector<16xf32>
        scf.yield %add3A_362, %add3A_366, %add3A_370, %add3A_374 : vector<16xf32>, vector<16xf32>, vector<16xf32>, vector<16xf32>
      }
      %scan3A_185 = arith.constant 4 : i32
      scf.yield %scan3A_184#0, %scan3A_184#1, %scan3A_184#2, %scan3A_184#3 : vector<16xf32>, vector<16xf32>, vector<16xf32>, vector<16xf32>
    }
    %scan3A_81 = arith.constant 16 : i32
    %dma_start3A_82 = arith.constant 0 : i32
    %dma_start3A_83 = arith.constant 0 : i32
    %dma_start3A_84 = arith.constant 0 : i32
    %dma_start3A_85 = tpu.memref_slice %arg8[%dma_start3A_82, %dma_start3A_83, %dma_start3A_84] : memref<2x16x512xf32, #tpu.memory_space<vmem>> -> memref<1x16x512xf32, #tpu.memory_space<vmem>>
    %dma_start3A_86 = tpu.memref_squeeze %dma_start3A_85 : memref<1x16x512xf32, #tpu.memory_space<vmem>> -> memref<16x512xf32, #tpu.memory_space<vmem>>
    %dma_start3A_87 = arith.constant 32 : i32
    %dma_start3A_88 = tpu.memref_slice %arg6[%dma_start3A_87] : memref<48xi32, #tpu.memory_space<vmem>> -> memref<16xi32, #tpu.memory_space<vmem>>
    %dma_start3A_89 = arith.constant 0 : i32
    %dma_start3A_90 = arith.constant 0 : i32
    %dma_start3A_91 = tpu.memref_slice %arg4[%dma_start3A_89, %dma_start3A_90] : memref<1000x512xf32, #tpu.memory_space<hbm>> -> memref<1000x512xf32, #tpu.memory_space<hbm>>
    tpu.enqueue_indirect_dma source(%dma_start3A_91 : memref<1000x512xf32, #tpu.memory_space<hbm>>) target(%dma_start3A_86 : memref<16x512xf32, #tpu.memory_space<vmem>>) offsets(%dma_start3A_88 : memref<16xi32, #tpu.memory_space<vmem>>) semaphore(%arg10 : memref<!tpu.dma_semaphore, #tpu.memory_space<semaphore_mem>>)
    %add3A_92 = arith.constant 32 : i32
    %add3A_93 = arith.addi %mul3A_2, %add3A_92 : i32
    %dma_start3A_94 = arith.constant 0 : i32
    %dma_start3A_95 = arith.constant 0 : i32
    %dma_start3A_96 = arith.constant 0 : i32
    %dma_start3A_97 = tpu.memref_slice %arg7[%dma_start3A_94, %dma_start3A_95, %dma_start3A_96] : memref<2x16x512xf32, #tpu.memory_space<vmem>> -> memref<1x16x512xf32, #tpu.memory_space<vmem>>
    %dma_start3A_98 = tpu.memref_squeeze %dma_start3A_97 : memref<1x16x512xf32, #tpu.memory_space<vmem>> -> memref<16x512xf32, #tpu.memory_space<vmem>>
    %dma_start3A_99 = arith.constant 0 : i32
    %dma_start3A_100 = tpu.memref_slice %arg2[%add3A_93, %dma_start3A_99] : memref<4096x512xf32, #tpu.memory_space<hbm>> -> memref<16x512xf32, #tpu.memory_space<hbm>>
    %dma_start3A_101 = arith.constant 0 : i32
    %dma_start3A_102 = arith.constant 0 : i32
    %dma_start3A_103 = tpu.memref_slice %arg7[%dma_start3A_94, %dma_start3A_101, %dma_start3A_102] : memref<2x16x512xf32, #tpu.memory_space<vmem>> -> memref<1x16x512xf32, #tpu.memory_space<vmem>>
    %dma_start3A_104 = tpu.memref_squeeze %dma_start3A_103 : memref<1x16x512xf32, #tpu.memory_space<vmem>> -> memref<16x512xf32, #tpu.memory_space<vmem>>
    %dma_start3A_105 = arith.constant 0 : i32
    %dma_start3A_106 = tpu.memref_slice %arg2[%add3A_93, %dma_start3A_105] : memref<4096x512xf32, #tpu.memory_space<hbm>> -> memref<16x512xf32, #tpu.memory_space<hbm>>
    tpu.enqueue_dma source(%dma_start3A_106 : memref<16x512xf32, #tpu.memory_space<hbm>>) target(%dma_start3A_104 : memref<16x512xf32, #tpu.memory_space<vmem>>) target_semaphore(%arg10 : memref<!tpu.dma_semaphore, #tpu.memory_space<semaphore_mem>>)
    %dma_wait3A_107 = arith.constant 1 : i32
    %dma_wait3A_108 = arith.constant 0 : i32
    %dma_wait3A_109 = arith.constant 0 : i32
    %dma_wait3A_110 = tpu.memref_slice %arg8[%dma_wait3A_107, %dma_wait3A_108, %dma_wait3A_109] : memref<2x16x512xf32, #tpu.memory_space<vmem>> -> memref<1x16x512xf32, #tpu.memory_space<vmem>>
    %dma_wait3A_111 = tpu.memref_squeeze %dma_wait3A_110 : memref<1x16x512xf32, #tpu.memory_space<vmem>> -> memref<16x512xf32, #tpu.memory_space<vmem>>
    %dma_wait3A_112 = arith.constant 16 : i32
    %dma_wait3A_113 = tpu.memref_slice %arg6[%dma_wait3A_112] : memref<48xi32, #tpu.memory_space<vmem>> -> memref<16xi32, #tpu.memory_space<vmem>>
    %dma_wait3A_114 = arith.constant 0 : i32
    %dma_wait3A_115 = arith.constant 0 : i32
    %dma_wait3A_116 = tpu.memref_slice %arg4[%dma_wait3A_114, %dma_wait3A_115] : memref<1000x512xf32, #tpu.memory_space<hbm>> -> memref<1000x512xf32, #tpu.memory_space<hbm>>
    tpu.wait_indirect_dma semaphore(%arg11 : memref<!tpu.dma_semaphore, #tpu.memory_space<semaphore_mem>>) src(%dma_wait3A_116 : memref<1000x512xf32, #tpu.memory_space<hbm>>) dst(%dma_wait3A_111 : memref<16x512xf32, #tpu.memory_space<vmem>>)
    %dma_wait3A_117 = arith.constant 1 : i32
    %dma_wait3A_118 = arith.constant 0 : i32
    %dma_wait3A_119 = arith.constant 0 : i32
    %dma_wait3A_120 = tpu.memref_slice %arg7[%dma_wait3A_117, %dma_wait3A_118, %dma_wait3A_119] : memref<2x16x512xf32, #tpu.memory_space<vmem>> -> memref<1x16x512xf32, #tpu.memory_space<vmem>>
    %dma_wait3A_121 = tpu.memref_squeeze %dma_wait3A_120 : memref<1x16x512xf32, #tpu.memory_space<vmem>> -> memref<16x512xf32, #tpu.memory_space<vmem>>
    %dma_wait3A_122 = arith.constant 0 : i32
    %dma_wait3A_123 = tpu.memref_slice %arg2[%add3A_39, %dma_wait3A_122] : memref<4096x512xf32, #tpu.memory_space<hbm>> -> memref<16x512xf32, #tpu.memory_space<hbm>>
    %dma_wait3A_124 = arith.constant 0 : i32
    %dma_wait3A_125 = arith.constant 0 : i32
    %dma_wait3A_126 = tpu.memref_slice %arg7[%dma_wait3A_117, %dma_wait3A_124, %dma_wait3A_125] : memref<2x16x512xf32, #tpu.memory_space<vmem>> -> memref<1x16x512xf32, #tpu.memory_space<vmem>>
    %dma_wait3A_127 = tpu.memref_squeeze %dma_wait3A_126 : memref<1x16x512xf32, #tpu.memory_space<vmem>> -> memref<16x512xf32, #tpu.memory_space<vmem>>
    %dma_wait3A_128 = arith.constant 0 : i32
    %dma_wait3A_129 = tpu.memref_slice %arg2[%add3A_39, %dma_wait3A_128] : memref<4096x512xf32, #tpu.memory_space<hbm>> -> memref<16x512xf32, #tpu.memory_space<hbm>>
    tpu.wait_dma2 semaphore(%arg11 : memref<!tpu.dma_semaphore, #tpu.memory_space<semaphore_mem>>) src(%dma_wait3A_129 : memref<16x512xf32, #tpu.memory_space<hbm>>) dst(%dma_wait3A_127 : memref<16x512xf32, #tpu.memory_space<vmem>>)
    %scan3A_130 = arith.constant 1 : i32
    %scan3A_131 = arith.constant 1 : i32
    %scan3A_132 = arith.constant 0 : i32
    %scan3A_133 = arith.constant 16 : i32
    %scan3A_134 = arith.addi %scan3A_132, %scan3A_133 : i32
    %scan3A_135 = arith.constant 1 : i32
    %scan3A_136:4 = scf.for %scan3A_175 = %scan3A_132 to %scan3A_134 step %scan3A_135 iter_args(%scan3A_176 = %scan3A_80#0, %scan3A_177 = %scan3A_80#1, %scan3A_178 = %scan3A_80#2, %scan3A_179 = %scan3A_80#3) -> (vector<16xf32>, vector<16xf32>, vector<16xf32>, vector<16xf32>)  : i32 {
      %scan3A_180 = arith.constant 0 : i32
      %scan3A_181 = arith.constant 4 : i32
      %scan3A_182 = arith.addi %scan3A_180, %scan3A_181 : i32
      %scan3A_183 = arith.constant 1 : i32
      %scan3A_184:4 = scf.for %scan3A_186 = %scan3A_180 to %scan3A_182 step %scan3A_183 iter_args(%scan3A_187 = %scan3A_176, %scan3A_188 = %scan3A_177, %scan3A_189 = %scan3A_178, %scan3A_190 = %scan3A_179) -> (vector<16xf32>, vector<16xf32>, vector<16xf32>, vector<16xf32>)  : i32 {
        %mul3A_191 = arith.constant 8 : i32
        %mul3A_192 = arith.muli %scan3A_186, %mul3A_191 : i32
        %add3A_193 = arith.constant 0 : i32
        %add3A_194 = arith.addi %mul3A_192, %add3A_193 : i32
        %mul3A_195 = arith.constant 16 : i32
        %mul3A_196 = arith.muli %add3A_194, %mul3A_195 : i32
        %get3A = arith.constant 0 : i32
        %get3A_197 = arith.constant 0 : i32
        %get3A_198 = tpu.memref_slice %arg7[%scan3A_130, %get3A, %get3A_197] : memref<2x16x512xf32, #tpu.memory_space<vmem>> -> memref<1x16x512xf32, #tpu.memory_space<vmem>>
        %get3A_199 = tpu.memref_squeeze %get3A_198 : memref<1x16x512xf32, #tpu.memory_space<vmem>> -> memref<16x512xf32, #tpu.memory_space<vmem>>
        %get3A_200 = arith.index_cast %scan3A_175 : i32 to index
        %get3A_201 = arith.index_cast %mul3A_196 : i32 to index
        %get3A_202 = tpu.vector_load %get3A_199[%get3A_200, %get3A_201] {strides = array<i32>} : memref<16x512xf32, #tpu.memory_space<vmem>>, vector<1x16xf32>,
        %get3A_203 = vector.shape_cast %get3A_202 : vector<1x16xf32> to vector<16xf32>
        %get3A_204 = arith.constant 0 : i32
        %get3A_205 = arith.constant 0 : i32
        %get3A_206 = tpu.memref_slice %arg8[%scan3A_131, %get3A_204, %get3A_205] : memref<2x16x512xf32, #tpu.memory_space<vmem>> -> memref<1x16x512xf32, #tpu.memory_space<vmem>>
        %get3A_207 = tpu.memref_squeeze %get3A_206 : memref<1x16x512xf32, #tpu.memory_space<vmem>> -> memref<16x512xf32, #tpu.memory_space<vmem>>
        %get3A_208 = arith.index_cast %scan3A_175 : i32 to index
        %get3A_209 = arith.index_cast %mul3A_196 : i32 to index
        %get3A_210 = tpu.vector_load %get3A_207[%get3A_208, %get3A_209] {strides = array<i32>} : memref<16x512xf32, #tpu.memory_space<vmem>>, vector<1x16xf32>,
        %get3A_211 = vector.shape_cast %get3A_210 : vector<1x16xf32> to vector<16xf32>
        %sub3A = arith.subf %get3A_203, %get3A_211 : vector<16xf32>
        %add3A_212 = arith.constant 1 : i32
        %add3A_213 = arith.addi %mul3A_192, %add3A_212 : i32
        %mul3A_214 = arith.constant 16 : i32
        %mul3A_215 = arith.muli %add3A_213, %mul3A_214 : i32
        %get3A_216 = arith.constant 0 : i32
        %get3A_217 = arith.constant 0 : i32
        %get3A_218 = tpu.memref_slice %arg7[%scan3A_130, %get3A_216, %get3A_217] : memref<2x16x512xf32, #tpu.memory_space<vmem>> -> memref<1x16x512xf32, #tpu.memory_space<vmem>>
        %get3A_219 = tpu.memref_squeeze %get3A_218 : memref<1x16x512xf32, #tpu.memory_space<vmem>> -> memref<16x512xf32, #tpu.memory_space<vmem>>
        %get3A_220 = arith.index_cast %scan3A_175 : i32 to index
        %get3A_221 = arith.index_cast %mul3A_215 : i32 to index
        %get3A_222 = tpu.vector_load %get3A_219[%get3A_220, %get3A_221] {strides = array<i32>} : memref<16x512xf32, #tpu.memory_space<vmem>>, vector<1x16xf32>,
        %get3A_223 = vector.shape_cast %get3A_222 : vector<1x16xf32> to vector<16xf32>
        %get3A_224 = arith.constant 0 : i32
        %get3A_225 = arith.constant 0 : i32
        %get3A_226 = tpu.memref_slice %arg8[%scan3A_131, %get3A_224, %get3A_225] : memref<2x16x512xf32, #tpu.memory_space<vmem>> -> memref<1x16x512xf32, #tpu.memory_space<vmem>>
        %get3A_227 = tpu.memref_squeeze %get3A_226 : memref<1x16x512xf32, #tpu.memory_space<vmem>> -> memref<16x512xf32, #tpu.memory_space<vmem>>
        %get3A_228 = arith.index_cast %scan3A_175 : i32 to index
        %get3A_229 = arith.index_cast %mul3A_215 : i32 to index
        %get3A_230 = tpu.vector_load %get3A_227[%get3A_228, %get3A_229] {strides = array<i32>} : memref<16x512xf32, #tpu.memory_space<vmem>>, vector<1x16xf32>,
        %get3A_231 = vector.shape_cast %get3A_230 : vector<1x16xf32> to vector<16xf32>
        %sub3A_232 = arith.subf %get3A_223, %get3A_231 : vector<16xf32>
        %add3A_233 = arith.constant 2 : i32
        %add3A_234 = arith.addi %mul3A_192, %add3A_233 : i32
        %mul3A_235 = arith.constant 16 : i32
        %mul3A_236 = arith.muli %add3A_234, %mul3A_235 : i32
        %get3A_237 = arith.constant 0 : i32
        %get3A_238 = arith.constant 0 : i32
        %get3A_239 = tpu.memref_slice %arg7[%scan3A_130, %get3A_237, %get3A_238] : memref<2x16x512xf32, #tpu.memory_space<vmem>> -> memref<1x16x512xf32, #tpu.memory_space<vmem>>
        %get3A_240 = tpu.memref_squeeze %get3A_239 : memref<1x16x512xf32, #tpu.memory_space<vmem>> -> memref<16x512xf32, #tpu.memory_space<vmem>>
        %get3A_241 = arith.index_cast %scan3A_175 : i32 to index
        %get3A_242 = arith.index_cast %mul3A_236 : i32 to index
        %get3A_243 = tpu.vector_load %get3A_240[%get3A_241, %get3A_242] {strides = array<i32>} : memref<16x512xf32, #tpu.memory_space<vmem>>, vector<1x16xf32>,
        %get3A_244 = vector.shape_cast %get3A_243 : vector<1x16xf32> to vector<16xf32>
        %get3A_245 = arith.constant 0 : i32
        %get3A_246 = arith.constant 0 : i32
        %get3A_247 = tpu.memref_slice %arg8[%scan3A_131, %get3A_245, %get3A_246] : memref<2x16x512xf32, #tpu.memory_space<vmem>> -> memref<1x16x512xf32, #tpu.memory_space<vmem>>
        %get3A_248 = tpu.memref_squeeze %get3A_247 : memref<1x16x512xf32, #tpu.memory_space<vmem>> -> memref<16x512xf32, #tpu.memory_space<vmem>>
        %get3A_249 = arith.index_cast %scan3A_175 : i32 to index
        %get3A_250 = arith.index_cast %mul3A_236 : i32 to index
        %get3A_251 = tpu.vector_load %get3A_248[%get3A_249, %get3A_250] {strides = array<i32>} : memref<16x512xf32, #tpu.memory_space<vmem>>, vector<1x16xf32>,
        %get3A_252 = vector.shape_cast %get3A_251 : vector<1x16xf32> to vector<16xf32>
        %sub3A_253 = arith.subf %get3A_244, %get3A_252 : vector<16xf32>
        %add3A_254 = arith.constant 3 : i32
        %add3A_255 = arith.addi %mul3A_192, %add3A_254 : i32
        %mul3A_256 = arith.constant 16 : i32
        %mul3A_257 = arith.muli %add3A_255, %mul3A_256 : i32
        %get3A_258 = arith.constant 0 : i32
        %get3A_259 = arith.constant 0 : i32
        %get3A_260 = tpu.memref_slice %arg7[%scan3A_130, %get3A_258, %get3A_259] : memref<2x16x512xf32, #tpu.memory_space<vmem>> -> memref<1x16x512xf32, #tpu.memory_space<vmem>>
        %get3A_261 = tpu.memref_squeeze %get3A_260 : memref<1x16x512xf32, #tpu.memory_space<vmem>> -> memref<16x512xf32, #tpu.memory_space<vmem>>
        %get3A_262 = arith.index_cast %scan3A_175 : i32 to index
        %get3A_263 = arith.index_cast %mul3A_257 : i32 to index
        %get3A_264 = tpu.vector_load %get3A_261[%get3A_262, %get3A_263] {strides = array<i32>} : memref<16x512xf32, #tpu.memory_space<vmem>>, vector<1x16xf32>,
        %get3A_265 = vector.shape_cast %get3A_264 : vector<1x16xf32> to vector<16xf32>
        %get3A_266 = arith.constant 0 : i32
        %get3A_267 = arith.constant 0 : i32
        %get3A_268 = tpu.memref_slice %arg8[%scan3A_131, %get3A_266, %get3A_267] : memref<2x16x512xf32, #tpu.memory_space<vmem>> -> memref<1x16x512xf32, #tpu.memory_space<vmem>>
        %get3A_269 = tpu.memref_squeeze %get3A_268 : memref<1x16x512xf32, #tpu.memory_space<vmem>> -> memref<16x512xf32, #tpu.memory_space<vmem>>
        %get3A_270 = arith.index_cast %scan3A_175 : i32 to index
        %get3A_271 = arith.index_cast %mul3A_257 : i32 to index
        %get3A_272 = tpu.vector_load %get3A_269[%get3A_270, %get3A_271] {strides = array<i32>} : memref<16x512xf32, #tpu.memory_space<vmem>>, vector<1x16xf32>,
        %get3A_273 = vector.shape_cast %get3A_272 : vector<1x16xf32> to vector<16xf32>
        %sub3A_274 = arith.subf %get3A_265, %get3A_273 : vector<16xf32>
        %add3A_275 = arith.constant 4 : i32
        %add3A_276 = arith.addi %mul3A_192, %add3A_275 : i32
        %mul3A_277 = arith.constant 16 : i32
        %mul3A_278 = arith.muli %add3A_276, %mul3A_277 : i32
        %get3A_279 = arith.constant 0 : i32
        %get3A_280 = arith.constant 0 : i32
        %get3A_281 = tpu.memref_slice %arg7[%scan3A_130, %get3A_279, %get3A_280] : memref<2x16x512xf32, #tpu.memory_space<vmem>> -> memref<1x16x512xf32, #tpu.memory_space<vmem>>
        %get3A_282 = tpu.memref_squeeze %get3A_281 : memref<1x16x512xf32, #tpu.memory_space<vmem>> -> memref<16x512xf32, #tpu.memory_space<vmem>>
        %get3A_283 = arith.index_cast %scan3A_175 : i32 to index
        %get3A_284 = arith.index_cast %mul3A_278 : i32 to index
        %get3A_285 = tpu.vector_load %get3A_282[%get3A_283, %get3A_284] {strides = array<i32>} : memref<16x512xf32, #tpu.memory_space<vmem>>, vector<1x16xf32>,
        %get3A_286 = vector.shape_cast %get3A_285 : vector<1x16xf32> to vector<16xf32>
        %get3A_287 = arith.constant 0 : i32
        %get3A_288 = arith.constant 0 : i32
        %get3A_289 = tpu.memref_slice %arg8[%scan3A_131, %get3A_287, %get3A_288] : memref<2x16x512xf32, #tpu.memory_space<vmem>> -> memref<1x16x512xf32, #tpu.memory_space<vmem>>
        %get3A_290 = tpu.memref_squeeze %get3A_289 : memref<1x16x512xf32, #tpu.memory_space<vmem>> -> memref<16x512xf32, #tpu.memory_space<vmem>>
        %get3A_291 = arith.index_cast %scan3A_175 : i32 to index
        %get3A_292 = arith.index_cast %mul3A_278 : i32 to index
        %get3A_293 = tpu.vector_load %get3A_290[%get3A_291, %get3A_292] {strides = array<i32>} : memref<16x512xf32, #tpu.memory_space<vmem>>, vector<1x16xf32>,
        %get3A_294 = vector.shape_cast %get3A_293 : vector<1x16xf32> to vector<16xf32>
        %sub3A_295 = arith.subf %get3A_286, %get3A_294 : vector<16xf32>
        %add3A_296 = arith.constant 5 : i32
        %add3A_297 = arith.addi %mul3A_192, %add3A_296 : i32
        %mul3A_298 = arith.constant 16 : i32
        %mul3A_299 = arith.muli %add3A_297, %mul3A_298 : i32
        %get3A_300 = arith.constant 0 : i32
        %get3A_301 = arith.constant 0 : i32
        %get3A_302 = tpu.memref_slice %arg7[%scan3A_130, %get3A_300, %get3A_301] : memref<2x16x512xf32, #tpu.memory_space<vmem>> -> memref<1x16x512xf32, #tpu.memory_space<vmem>>
        %get3A_303 = tpu.memref_squeeze %get3A_302 : memref<1x16x512xf32, #tpu.memory_space<vmem>> -> memref<16x512xf32, #tpu.memory_space<vmem>>
        %get3A_304 = arith.index_cast %scan3A_175 : i32 to index
        %get3A_305 = arith.index_cast %mul3A_299 : i32 to index
        %get3A_306 = tpu.vector_load %get3A_303[%get3A_304, %get3A_305] {strides = array<i32>} : memref<16x512xf32, #tpu.memory_space<vmem>>, vector<1x16xf32>,
        %get3A_307 = vector.shape_cast %get3A_306 : vector<1x16xf32> to vector<16xf32>
        %get3A_308 = arith.constant 0 : i32
        %get3A_309 = arith.constant 0 : i32
        %get3A_310 = tpu.memref_slice %arg8[%scan3A_131, %get3A_308, %get3A_309] : memref<2x16x512xf32, #tpu.memory_space<vmem>> -> memref<1x16x512xf32, #tpu.memory_space<vmem>>
        %get3A_311 = tpu.memref_squeeze %get3A_310 : memref<1x16x512xf32, #tpu.memory_space<vmem>> -> memref<16x512xf32, #tpu.memory_space<vmem>>
        %get3A_312 = arith.index_cast %scan3A_175 : i32 to index
        %get3A_313 = arith.index_cast %mul3A_299 : i32 to index
        %get3A_314 = tpu.vector_load %get3A_311[%get3A_312, %get3A_313] {strides = array<i32>} : memref<16x512xf32, #tpu.memory_space<vmem>>, vector<1x16xf32>,
        %get3A_315 = vector.shape_cast %get3A_314 : vector<1x16xf32> to vector<16xf32>
        %sub3A_316 = arith.subf %get3A_307, %get3A_315 : vector<16xf32>
        %add3A_317 = arith.constant 6 : i32
        %add3A_318 = arith.addi %mul3A_192, %add3A_317 : i32
        %mul3A_319 = arith.constant 16 : i32
        %mul3A_320 = arith.muli %add3A_318, %mul3A_319 : i32
        %get3A_321 = arith.constant 0 : i32
        %get3A_322 = arith.constant 0 : i32
        %get3A_323 = tpu.memref_slice %arg7[%scan3A_130, %get3A_321, %get3A_322] : memref<2x16x512xf32, #tpu.memory_space<vmem>> -> memref<1x16x512xf32, #tpu.memory_space<vmem>>
        %get3A_324 = tpu.memref_squeeze %get3A_323 : memref<1x16x512xf32, #tpu.memory_space<vmem>> -> memref<16x512xf32, #tpu.memory_space<vmem>>
        %get3A_325 = arith.index_cast %scan3A_175 : i32 to index
        %get3A_326 = arith.index_cast %mul3A_320 : i32 to index
        %get3A_327 = tpu.vector_load %get3A_324[%get3A_325, %get3A_326] {strides = array<i32>} : memref<16x512xf32, #tpu.memory_space<vmem>>, vector<1x16xf32>,
        %get3A_328 = vector.shape_cast %get3A_327 : vector<1x16xf32> to vector<16xf32>
        %get3A_329 = arith.constant 0 : i32
        %get3A_330 = arith.constant 0 : i32
        %get3A_331 = tpu.memref_slice %arg8[%scan3A_131, %get3A_329, %get3A_330] : memref<2x16x512xf32, #tpu.memory_space<vmem>> -> memref<1x16x512xf32, #tpu.memory_space<vmem>>
        %get3A_332 = tpu.memref_squeeze %get3A_331 : memref<1x16x512xf32, #tpu.memory_space<vmem>> -> memref<16x512xf32, #tpu.memory_space<vmem>>
        %get3A_333 = arith.index_cast %scan3A_175 : i32 to index
        %get3A_334 = arith.index_cast %mul3A_320 : i32 to index
        %get3A_335 = tpu.vector_load %get3A_332[%get3A_333, %get3A_334] {strides = array<i32>} : memref<16x512xf32, #tpu.memory_space<vmem>>, vector<1x16xf32>,
        %get3A_336 = vector.shape_cast %get3A_335 : vector<1x16xf32> to vector<16xf32>
        %sub3A_337 = arith.subf %get3A_328, %get3A_336 : vector<16xf32>
        %add3A_338 = arith.constant 7 : i32
        %add3A_339 = arith.addi %mul3A_192, %add3A_338 : i32
        %mul3A_340 = arith.constant 16 : i32
        %mul3A_341 = arith.muli %add3A_339, %mul3A_340 : i32
        %get3A_342 = arith.constant 0 : i32
        %get3A_343 = arith.constant 0 : i32
        %get3A_344 = tpu.memref_slice %arg7[%scan3A_130, %get3A_342, %get3A_343] : memref<2x16x512xf32, #tpu.memory_space<vmem>> -> memref<1x16x512xf32, #tpu.memory_space<vmem>>
        %get3A_345 = tpu.memref_squeeze %get3A_344 : memref<1x16x512xf32, #tpu.memory_space<vmem>> -> memref<16x512xf32, #tpu.memory_space<vmem>>
        %get3A_346 = arith.index_cast %scan3A_175 : i32 to index
        %get3A_347 = arith.index_cast %mul3A_341 : i32 to index
        %get3A_348 = tpu.vector_load %get3A_345[%get3A_346, %get3A_347] {strides = array<i32>} : memref<16x512xf32, #tpu.memory_space<vmem>>, vector<1x16xf32>,
        %get3A_349 = vector.shape_cast %get3A_348 : vector<1x16xf32> to vector<16xf32>
        %get3A_350 = arith.constant 0 : i32
        %get3A_351 = arith.constant 0 : i32
        %get3A_352 = tpu.memref_slice %arg8[%scan3A_131, %get3A_350, %get3A_351] : memref<2x16x512xf32, #tpu.memory_space<vmem>> -> memref<1x16x512xf32, #tpu.memory_space<vmem>>
        %get3A_353 = tpu.memref_squeeze %get3A_352 : memref<1x16x512xf32, #tpu.memory_space<vmem>> -> memref<16x512xf32, #tpu.memory_space<vmem>>
        %get3A_354 = arith.index_cast %scan3A_175 : i32 to index
        %get3A_355 = arith.index_cast %mul3A_341 : i32 to index
        %get3A_356 = tpu.vector_load %get3A_353[%get3A_354, %get3A_355] {strides = array<i32>} : memref<16x512xf32, #tpu.memory_space<vmem>>, vector<1x16xf32>,
        %get3A_357 = vector.shape_cast %get3A_356 : vector<1x16xf32> to vector<16xf32>
        %sub3A_358 = arith.subf %get3A_349, %get3A_357 : vector<16xf32>
        %mul3A_359 = arith.mulf %sub3A, %sub3A : vector<16xf32>
        %add3A_360 = arith.addf %scan3A_187, %mul3A_359 : vector<16xf32>
        %mul3A_361 = arith.mulf %sub3A_295, %sub3A_295 : vector<16xf32>
        %add3A_362 = arith.addf %add3A_360, %mul3A_361 : vector<16xf32>
        %mul3A_363 = arith.mulf %sub3A_232, %sub3A_232 : vector<16xf32>
        %add3A_364 = arith.addf %scan3A_188, %mul3A_363 : vector<16xf32>
        %mul3A_365 = arith.mulf %sub3A_316, %sub3A_316 : vector<16xf32>
        %add3A_366 = arith.addf %add3A_364, %mul3A_365 : vector<16xf32>
        %mul3A_367 = arith.mulf %sub3A_253, %sub3A_253 : vector<16xf32>
        %add3A_368 = arith.addf %scan3A_189, %mul3A_367 : vector<16xf32>
        %mul3A_369 = arith.mulf %sub3A_337, %sub3A_337 : vector<16xf32>
        %add3A_370 = arith.addf %add3A_368, %mul3A_369 : vector<16xf32>
        %mul3A_371 = arith.mulf %sub3A_274, %sub3A_274 : vector<16xf32>
        %add3A_372 = arith.addf %scan3A_190, %mul3A_371 : vector<16xf32>
        %mul3A_373 = arith.mulf %sub3A_358, %sub3A_358 : vector<16xf32>
        %add3A_374 = arith.addf %add3A_372, %mul3A_373 : vector<16xf32>
        scf.yield %add3A_362, %add3A_366, %add3A_370, %add3A_374 : vector<16xf32>, vector<16xf32>, vector<16xf32>, vector<16xf32>
      }
      %scan3A_185 = arith.constant 4 : i32
      scf.yield %scan3A_184#0, %scan3A_184#1, %scan3A_184#2, %scan3A_184#3 : vector<16xf32>, vector<16xf32>, vector<16xf32>, vector<16xf32>
    }
    %scan3A_137 = arith.constant 16 : i32
    %dma_wait3A_138 = arith.constant 0 : i32
    %dma_wait3A_139 = arith.constant 0 : i32
    %dma_wait3A_140 = arith.constant 0 : i32
    %dma_wait3A_141 = tpu.memref_slice %arg8[%dma_wait3A_138, %dma_wait3A_139, %dma_wait3A_140] : memref<2x16x512xf32, #tpu.memory_space<vmem>> -> memref<1x16x512xf32, #tpu.memory_space<vmem>>
    %dma_wait3A_142 = tpu.memref_squeeze %dma_wait3A_141 : memref<1x16x512xf32, #tpu.memory_space<vmem>> -> memref<16x512xf32, #tpu.memory_space<vmem>>
    %dma_wait3A_143 = arith.constant 32 : i32
    %dma_wait3A_144 = tpu.memref_slice %arg6[%dma_wait3A_143] : memref<48xi32, #tpu.memory_space<vmem>> -> memref<16xi32, #tpu.memory_space<vmem>>
    %dma_wait3A_145 = arith.constant 0 : i32
    %dma_wait3A_146 = arith.constant 0 : i32
    %dma_wait3A_147 = tpu.memref_slice %arg4[%dma_wait3A_145, %dma_wait3A_146] : memref<1000x512xf32, #tpu.memory_space<hbm>> -> memref<1000x512xf32, #tpu.memory_space<hbm>>
    tpu.wait_indirect_dma semaphore(%arg10 : memref<!tpu.dma_semaphore, #tpu.memory_space<semaphore_mem>>) src(%dma_wait3A_147 : memref<1000x512xf32, #tpu.memory_space<hbm>>) dst(%dma_wait3A_142 : memref<16x512xf32, #tpu.memory_space<vmem>>)
    %dma_wait3A_148 = arith.constant 0 : i32
    %dma_wait3A_149 = arith.constant 0 : i32
    %dma_wait3A_150 = arith.constant 0 : i32
    %dma_wait3A_151 = tpu.memref_slice %arg7[%dma_wait3A_148, %dma_wait3A_149, %dma_wait3A_150] : memref<2x16x512xf32, #tpu.memory_space<vmem>> -> memref<1x16x512xf32, #tpu.memory_space<vmem>>
    %dma_wait3A_152 = tpu.memref_squeeze %dma_wait3A_151 : memref<1x16x512xf32, #tpu.memory_space<vmem>> -> memref<16x512xf32, #tpu.memory_space<vmem>>
    %dma_wait3A_153 = arith.constant 0 : i32
    %dma_wait3A_154 = tpu.memref_slice %arg2[%add3A_93, %dma_wait3A_153] : memref<4096x512xf32, #tpu.memory_space<hbm>> -> memref<16x512xf32, #tpu.memory_space<hbm>>
    %dma_wait3A_155 = arith.constant 0 : i32
    %dma_wait3A_156 = arith.constant 0 : i32
    %dma_wait3A_157 = tpu.memref_slice %arg7[%dma_wait3A_148, %dma_wait3A_155, %dma_wait3A_156] : memref<2x16x512xf32, #tpu.memory_space<vmem>> -> memref<1x16x512xf32, #tpu.memory_space<vmem>>
    %dma_wait3A_158 = tpu.memref_squeeze %dma_wait3A_157 : memref<1x16x512xf32, #tpu.memory_space<vmem>> -> memref<16x512xf32, #tpu.memory_space<vmem>>
    %dma_wait3A_159 = arith.constant 0 : i32
    %dma_wait3A_160 = tpu.memref_slice %arg2[%add3A_93, %dma_wait3A_159] : memref<4096x512xf32, #tpu.memory_space<hbm>> -> memref<16x512xf32, #tpu.memory_space<hbm>>
    tpu.wait_dma2 semaphore(%arg10 : memref<!tpu.dma_semaphore, #tpu.memory_space<semaphore_mem>>) src(%dma_wait3A_160 : memref<16x512xf32, #tpu.memory_space<hbm>>) dst(%dma_wait3A_158 : memref<16x512xf32, #tpu.memory_space<vmem>>)
    %scan3A_161 = arith.constant 0 : i32
    %scan3A_162 = arith.constant 0 : i32
    %scan3A_163 = arith.constant 0 : i32
    %scan3A_164 = arith.constant 16 : i32
    %scan3A_165 = arith.addi %scan3A_163, %scan3A_164 : i32
    %scan3A_166 = arith.constant 1 : i32
    %scan3A_167:4 = scf.for %scan3A_175 = %scan3A_163 to %scan3A_165 step %scan3A_166 iter_args(%scan3A_176 = %scan3A_136#0, %scan3A_177 = %scan3A_136#1, %scan3A_178 = %scan3A_136#2, %scan3A_179 = %scan3A_136#3) -> (vector<16xf32>, vector<16xf32>, vector<16xf32>, vector<16xf32>)  : i32 {
      %scan3A_180 = arith.constant 0 : i32
      %scan3A_181 = arith.constant 4 : i32
      %scan3A_182 = arith.addi %scan3A_180, %scan3A_181 : i32
      %scan3A_183 = arith.constant 1 : i32
      %scan3A_184:4 = scf.for %scan3A_186 = %scan3A_180 to %scan3A_182 step %scan3A_183 iter_args(%scan3A_187 = %scan3A_176, %scan3A_188 = %scan3A_177, %scan3A_189 = %scan3A_178, %scan3A_190 = %scan3A_179) -> (vector<16xf32>, vector<16xf32>, vector<16xf32>, vector<16xf32>)  : i32 {
        %mul3A_191 = arith.constant 8 : i32
        %mul3A_192 = arith.muli %scan3A_186, %mul3A_191 : i32
        %add3A_193 = arith.constant 0 : i32
        %add3A_194 = arith.addi %mul3A_192, %add3A_193 : i32
        %mul3A_195 = arith.constant 16 : i32
        %mul3A_196 = arith.muli %add3A_194, %mul3A_195 : i32
        %get3A = arith.constant 0 : i32
        %get3A_197 = arith.constant 0 : i32
        %get3A_198 = tpu.memref_slice %arg7[%scan3A_161, %get3A, %get3A_197] : memref<2x16x512xf32, #tpu.memory_space<vmem>> -> memref<1x16x512xf32, #tpu.memory_space<vmem>>
        %get3A_199 = tpu.memref_squeeze %get3A_198 : memref<1x16x512xf32, #tpu.memory_space<vmem>> -> memref<16x512xf32, #tpu.memory_space<vmem>>
        %get3A_200 = arith.index_cast %scan3A_175 : i32 to index
        %get3A_201 = arith.index_cast %mul3A_196 : i32 to index
        %get3A_202 = tpu.vector_load %get3A_199[%get3A_200, %get3A_201] {strides = array<i32>} : memref<16x512xf32, #tpu.memory_space<vmem>>, vector<1x16xf32>,
        %get3A_203 = vector.shape_cast %get3A_202 : vector<1x16xf32> to vector<16xf32>
        %get3A_204 = arith.constant 0 : i32
        %get3A_205 = arith.constant 0 : i32
        %get3A_206 = tpu.memref_slice %arg8[%scan3A_162, %get3A_204, %get3A_205] : memref<2x16x512xf32, #tpu.memory_space<vmem>> -> memref<1x16x512xf32, #tpu.memory_space<vmem>>
        %get3A_207 = tpu.memref_squeeze %get3A_206 : memref<1x16x512xf32, #tpu.memory_space<vmem>> -> memref<16x512xf32, #tpu.memory_space<vmem>>
        %get3A_208 = arith.index_cast %scan3A_175 : i32 to index
        %get3A_209 = arith.index_cast %mul3A_196 : i32 to index
        %get3A_210 = tpu.vector_load %get3A_207[%get3A_208, %get3A_209] {strides = array<i32>} : memref<16x512xf32, #tpu.memory_space<vmem>>, vector<1x16xf32>,
        %get3A_211 = vector.shape_cast %get3A_210 : vector<1x16xf32> to vector<16xf32>
        %sub3A = arith.subf %get3A_203, %get3A_211 : vector<16xf32>
        %add3A_212 = arith.constant 1 : i32
        %add3A_213 = arith.addi %mul3A_192, %add3A_212 : i32
        %mul3A_214 = arith.constant 16 : i32
        %mul3A_215 = arith.muli %add3A_213, %mul3A_214 : i32
        %get3A_216 = arith.constant 0 : i32
        %get3A_217 = arith.constant 0 : i32
        %get3A_218 = tpu.memref_slice %arg7[%scan3A_161, %get3A_216, %get3A_217] : memref<2x16x512xf32, #tpu.memory_space<vmem>> -> memref<1x16x512xf32, #tpu.memory_space<vmem>>
        %get3A_219 = tpu.memref_squeeze %get3A_218 : memref<1x16x512xf32, #tpu.memory_space<vmem>> -> memref<16x512xf32, #tpu.memory_space<vmem>>
        %get3A_220 = arith.index_cast %scan3A_175 : i32 to index
        %get3A_221 = arith.index_cast %mul3A_215 : i32 to index
        %get3A_222 = tpu.vector_load %get3A_219[%get3A_220, %get3A_221] {strides = array<i32>} : memref<16x512xf32, #tpu.memory_space<vmem>>, vector<1x16xf32>,
        %get3A_223 = vector.shape_cast %get3A_222 : vector<1x16xf32> to vector<16xf32>
        %get3A_224 = arith.constant 0 : i32
        %get3A_225 = arith.constant 0 : i32
        %get3A_226 = tpu.memref_slice %arg8[%scan3A_162, %get3A_224, %get3A_225] : memref<2x16x512xf32, #tpu.memory_space<vmem>> -> memref<1x16x512xf32, #tpu.memory_space<vmem>>
        %get3A_227 = tpu.memref_squeeze %get3A_226 : memref<1x16x512xf32, #tpu.memory_space<vmem>> -> memref<16x512xf32, #tpu.memory_space<vmem>>
        %get3A_228 = arith.index_cast %scan3A_175 : i32 to index
        %get3A_229 = arith.index_cast %mul3A_215 : i32 to index
        %get3A_230 = tpu.vector_load %get3A_227[%get3A_228, %get3A_229] {strides = array<i32>} : memref<16x512xf32, #tpu.memory_space<vmem>>, vector<1x16xf32>,
        %get3A_231 = vector.shape_cast %get3A_230 : vector<1x16xf32> to vector<16xf32>
        %sub3A_232 = arith.subf %get3A_223, %get3A_231 : vector<16xf32>
        %add3A_233 = arith.constant 2 : i32
        %add3A_234 = arith.addi %mul3A_192, %add3A_233 : i32
        %mul3A_235 = arith.constant 16 : i32
        %mul3A_236 = arith.muli %add3A_234, %mul3A_235 : i32
        %get3A_237 = arith.constant 0 : i32
        %get3A_238 = arith.constant 0 : i32
        %get3A_239 = tpu.memref_slice %arg7[%scan3A_161, %get3A_237, %get3A_238] : memref<2x16x512xf32, #tpu.memory_space<vmem>> -> memref<1x16x512xf32, #tpu.memory_space<vmem>>
        %get3A_240 = tpu.memref_squeeze %get3A_239 : memref<1x16x512xf32, #tpu.memory_space<vmem>> -> memref<16x512xf32, #tpu.memory_space<vmem>>
        %get3A_241 = arith.index_cast %scan3A_175 : i32 to index
        %get3A_242 = arith.index_cast %mul3A_236 : i32 to index
        %get3A_243 = tpu.vector_load %get3A_240[%get3A_241, %get3A_242] {strides = array<i32>} : memref<16x512xf32, #tpu.memory_space<vmem>>, vector<1x16xf32>,
        %get3A_244 = vector.shape_cast %get3A_243 : vector<1x16xf32> to vector<16xf32>
        %get3A_245 = arith.constant 0 : i32
        %get3A_246 = arith.constant 0 : i32
        %get3A_247 = tpu.memref_slice %arg8[%scan3A_162, %get3A_245, %get3A_246] : memref<2x16x512xf32, #tpu.memory_space<vmem>> -> memref<1x16x512xf32, #tpu.memory_space<vmem>>
        %get3A_248 = tpu.memref_squeeze %get3A_247 : memref<1x16x512xf32, #tpu.memory_space<vmem>> -> memref<16x512xf32, #tpu.memory_space<vmem>>
        %get3A_249 = arith.index_cast %scan3A_175 : i32 to index
        %get3A_250 = arith.index_cast %mul3A_236 : i32 to index
        %get3A_251 = tpu.vector_load %get3A_248[%get3A_249, %get3A_250] {strides = array<i32>} : memref<16x512xf32, #tpu.memory_space<vmem>>, vector<1x16xf32>,
        %get3A_252 = vector.shape_cast %get3A_251 : vector<1x16xf32> to vector<16xf32>
        %sub3A_253 = arith.subf %get3A_244, %get3A_252 : vector<16xf32>
        %add3A_254 = arith.constant 3 : i32
        %add3A_255 = arith.addi %mul3A_192, %add3A_254 : i32
        %mul3A_256 = arith.constant 16 : i32
        %mul3A_257 = arith.muli %add3A_255, %mul3A_256 : i32
        %get3A_258 = arith.constant 0 : i32
        %get3A_259 = arith.constant 0 : i32
        %get3A_260 = tpu.memref_slice %arg7[%scan3A_161, %get3A_258, %get3A_259] : memref<2x16x512xf32, #tpu.memory_space<vmem>> -> memref<1x16x512xf32, #tpu.memory_space<vmem>>
        %get3A_261 = tpu.memref_squeeze %get3A_260 : memref<1x16x512xf32, #tpu.memory_space<vmem>> -> memref<16x512xf32, #tpu.memory_space<vmem>>
        %get3A_262 = arith.index_cast %scan3A_175 : i32 to index
        %get3A_263 = arith.index_cast %mul3A_257 : i32 to index
        %get3A_264 = tpu.vector_load %get3A_261[%get3A_262, %get3A_263] {strides = array<i32>} : memref<16x512xf32, #tpu.memory_space<vmem>>, vector<1x16xf32>,
        %get3A_265 = vector.shape_cast %get3A_264 : vector<1x16xf32> to vector<16xf32>
        %get3A_266 = arith.constant 0 : i32
        %get3A_267 = arith.constant 0 : i32
        %get3A_268 = tpu.memref_slice %arg8[%scan3A_162, %get3A_266, %get3A_267] : memref<2x16x512xf32, #tpu.memory_space<vmem>> -> memref<1x16x512xf32, #tpu.memory_space<vmem>>
        %get3A_269 = tpu.memref_squeeze %get3A_268 : memref<1x16x512xf32, #tpu.memory_space<vmem>> -> memref<16x512xf32, #tpu.memory_space<vmem>>
        %get3A_270 = arith.index_cast %scan3A_175 : i32 to index
        %get3A_271 = arith.index_cast %mul3A_257 : i32 to index
        %get3A_272 = tpu.vector_load %get3A_269[%get3A_270, %get3A_271] {strides = array<i32>} : memref<16x512xf32, #tpu.memory_space<vmem>>, vector<1x16xf32>,
        %get3A_273 = vector.shape_cast %get3A_272 : vector<1x16xf32> to vector<16xf32>
        %sub3A_274 = arith.subf %get3A_265, %get3A_273 : vector<16xf32>
        %add3A_275 = arith.constant 4 : i32
        %add3A_276 = arith.addi %mul3A_192, %add3A_275 : i32
        %mul3A_277 = arith.constant 16 : i32
        %mul3A_278 = arith.muli %add3A_276, %mul3A_277 : i32
        %get3A_279 = arith.constant 0 : i32
        %get3A_280 = arith.constant 0 : i32
        %get3A_281 = tpu.memref_slice %arg7[%scan3A_161, %get3A_279, %get3A_280] : memref<2x16x512xf32, #tpu.memory_space<vmem>> -> memref<1x16x512xf32, #tpu.memory_space<vmem>>
        %get3A_282 = tpu.memref_squeeze %get3A_281 : memref<1x16x512xf32, #tpu.memory_space<vmem>> -> memref<16x512xf32, #tpu.memory_space<vmem>>
        %get3A_283 = arith.index_cast %scan3A_175 : i32 to index
        %get3A_284 = arith.index_cast %mul3A_278 : i32 to index
        %get3A_285 = tpu.vector_load %get3A_282[%get3A_283, %get3A_284] {strides = array<i32>} : memref<16x512xf32, #tpu.memory_space<vmem>>, vector<1x16xf32>,
        %get3A_286 = vector.shape_cast %get3A_285 : vector<1x16xf32> to vector<16xf32>
        %get3A_287 = arith.constant 0 : i32
        %get3A_288 = arith.constant 0 : i32
        %get3A_289 = tpu.memref_slice %arg8[%scan3A_162, %get3A_287, %get3A_288] : memref<2x16x512xf32, #tpu.memory_space<vmem>> -> memref<1x16x512xf32, #tpu.memory_space<vmem>>
        %get3A_290 = tpu.memref_squeeze %get3A_289 : memref<1x16x512xf32, #tpu.memory_space<vmem>> -> memref<16x512xf32, #tpu.memory_space<vmem>>
        %get3A_291 = arith.index_cast %scan3A_175 : i32 to index
        %get3A_292 = arith.index_cast %mul3A_278 : i32 to index
        %get3A_293 = tpu.vector_load %get3A_290[%get3A_291, %get3A_292] {strides = array<i32>} : memref<16x512xf32, #tpu.memory_space<vmem>>, vector<1x16xf32>,
        %get3A_294 = vector.shape_cast %get3A_293 : vector<1x16xf32> to vector<16xf32>
        %sub3A_295 = arith.subf %get3A_286, %get3A_294 : vector<16xf32>
        %add3A_296 = arith.constant 5 : i32
        %add3A_297 = arith.addi %mul3A_192, %add3A_296 : i32
        %mul3A_298 = arith.constant 16 : i32
        %mul3A_299 = arith.muli %add3A_297, %mul3A_298 : i32
        %get3A_300 = arith.constant 0 : i32
        %get3A_301 = arith.constant 0 : i32
        %get3A_302 = tpu.memref_slice %arg7[%scan3A_161, %get3A_300, %get3A_301] : memref<2x16x512xf32, #tpu.memory_space<vmem>> -> memref<1x16x512xf32, #tpu.memory_space<vmem>>
        %get3A_303 = tpu.memref_squeeze %get3A_302 : memref<1x16x512xf32, #tpu.memory_space<vmem>> -> memref<16x512xf32, #tpu.memory_space<vmem>>
        %get3A_304 = arith.index_cast %scan3A_175 : i32 to index
        %get3A_305 = arith.index_cast %mul3A_299 : i32 to index
        %get3A_306 = tpu.vector_load %get3A_303[%get3A_304, %get3A_305] {strides = array<i32>} : memref<16x512xf32, #tpu.memory_space<vmem>>, vector<1x16xf32>,
        %get3A_307 = vector.shape_cast %get3A_306 : vector<1x16xf32> to vector<16xf32>
        %get3A_308 = arith.constant 0 : i32
        %get3A_309 = arith.constant 0 : i32
        %get3A_310 = tpu.memref_slice %arg8[%scan3A_162, %get3A_308, %get3A_309] : memref<2x16x512xf32, #tpu.memory_space<vmem>> -> memref<1x16x512xf32, #tpu.memory_space<vmem>>
        %get3A_311 = tpu.memref_squeeze %get3A_310 : memref<1x16x512xf32, #tpu.memory_space<vmem>> -> memref<16x512xf32, #tpu.memory_space<vmem>>
        %get3A_312 = arith.index_cast %scan3A_175 : i32 to index
        %get3A_313 = arith.index_cast %mul3A_299 : i32 to index
        %get3A_314 = tpu.vector_load %get3A_311[%get3A_312, %get3A_313] {strides = array<i32>} : memref<16x512xf32, #tpu.memory_space<vmem>>, vector<1x16xf32>,
        %get3A_315 = vector.shape_cast %get3A_314 : vector<1x16xf32> to vector<16xf32>
        %sub3A_316 = arith.subf %get3A_307, %get3A_315 : vector<16xf32>
        %add3A_317 = arith.constant 6 : i32
        %add3A_318 = arith.addi %mul3A_192, %add3A_317 : i32
        %mul3A_319 = arith.constant 16 : i32
        %mul3A_320 = arith.muli %add3A_318, %mul3A_319 : i32
        %get3A_321 = arith.constant 0 : i32
        %get3A_322 = arith.constant 0 : i32
        %get3A_323 = tpu.memref_slice %arg7[%scan3A_161, %get3A_321, %get3A_322] : memref<2x16x512xf32, #tpu.memory_space<vmem>> -> memref<1x16x512xf32, #tpu.memory_space<vmem>>
        %get3A_324 = tpu.memref_squeeze %get3A_323 : memref<1x16x512xf32, #tpu.memory_space<vmem>> -> memref<16x512xf32, #tpu.memory_space<vmem>>
        %get3A_325 = arith.index_cast %scan3A_175 : i32 to index
        %get3A_326 = arith.index_cast %mul3A_320 : i32 to index
        %get3A_327 = tpu.vector_load %get3A_324[%get3A_325, %get3A_326] {strides = array<i32>} : memref<16x512xf32, #tpu.memory_space<vmem>>, vector<1x16xf32>,
        %get3A_328 = vector.shape_cast %get3A_327 : vector<1x16xf32> to vector<16xf32>
        %get3A_329 = arith.constant 0 : i32
        %get3A_330 = arith.constant 0 : i32
        %get3A_331 = tpu.memref_slice %arg8[%scan3A_162, %get3A_329, %get3A_330] : memref<2x16x512xf32, #tpu.memory_space<vmem>> -> memref<1x16x512xf32, #tpu.memory_space<vmem>>
        %get3A_332 = tpu.memref_squeeze %get3A_331 : memref<1x16x512xf32, #tpu.memory_space<vmem>> -> memref<16x512xf32, #tpu.memory_space<vmem>>
        %get3A_333 = arith.index_cast %scan3A_175 : i32 to index
        %get3A_334 = arith.index_cast %mul3A_320 : i32 to index
        %get3A_335 = tpu.vector_load %get3A_332[%get3A_333, %get3A_334] {strides = array<i32>} : memref<16x512xf32, #tpu.memory_space<vmem>>, vector<1x16xf32>,
        %get3A_336 = vector.shape_cast %get3A_335 : vector<1x16xf32> to vector<16xf32>
        %sub3A_337 = arith.subf %get3A_328, %get3A_336 : vector<16xf32>
        %add3A_338 = arith.constant 7 : i32
        %add3A_339 = arith.addi %mul3A_192, %add3A_338 : i32
        %mul3A_340 = arith.constant 16 : i32
        %mul3A_341 = arith.muli %add3A_339, %mul3A_340 : i32
        %get3A_342 = arith.constant 0 : i32
        %get3A_343 = arith.constant 0 : i32
        %get3A_344 = tpu.memref_slice %arg7[%scan3A_161, %get3A_342, %get3A_343] : memref<2x16x512xf32, #tpu.memory_space<vmem>> -> memref<1x16x512xf32, #tpu.memory_space<vmem>>
        %get3A_345 = tpu.memref_squeeze %get3A_344 : memref<1x16x512xf32, #tpu.memory_space<vmem>> -> memref<16x512xf32, #tpu.memory_space<vmem>>
        %get3A_346 = arith.index_cast %scan3A_175 : i32 to index
        %get3A_347 = arith.index_cast %mul3A_341 : i32 to index
        %get3A_348 = tpu.vector_load %get3A_345[%get3A_346, %get3A_347] {strides = array<i32>} : memref<16x512xf32, #tpu.memory_space<vmem>>, vector<1x16xf32>,
        %get3A_349 = vector.shape_cast %get3A_348 : vector<1x16xf32> to vector<16xf32>
        %get3A_350 = arith.constant 0 : i32
        %get3A_351 = arith.constant 0 : i32
        %get3A_352 = tpu.memref_slice %arg8[%scan3A_162, %get3A_350, %get3A_351] : memref<2x16x512xf32, #tpu.memory_space<vmem>> -> memref<1x16x512xf32, #tpu.memory_space<vmem>>
        %get3A_353 = tpu.memref_squeeze %get3A_352 : memref<1x16x512xf32, #tpu.memory_space<vmem>> -> memref<16x512xf32, #tpu.memory_space<vmem>>
        %get3A_354 = arith.index_cast %scan3A_175 : i32 to index
        %get3A_355 = arith.index_cast %mul3A_341 : i32 to index
        %get3A_356 = tpu.vector_load %get3A_353[%get3A_354, %get3A_355] {strides = array<i32>} : memref<16x512xf32, #tpu.memory_space<vmem>>, vector<1x16xf32>,
        %get3A_357 = vector.shape_cast %get3A_356 : vector<1x16xf32> to vector<16xf32>
        %sub3A_358 = arith.subf %get3A_349, %get3A_357 : vector<16xf32>
        %mul3A_359 = arith.mulf %sub3A, %sub3A : vector<16xf32>
        %add3A_360 = arith.addf %scan3A_187, %mul3A_359 : vector<16xf32>
        %mul3A_361 = arith.mulf %sub3A_295, %sub3A_295 : vector<16xf32>
        %add3A_362 = arith.addf %add3A_360, %mul3A_361 : vector<16xf32>
        %mul3A_363 = arith.mulf %sub3A_232, %sub3A_232 : vector<16xf32>
        %add3A_364 = arith.addf %scan3A_188, %mul3A_363 : vector<16xf32>
        %mul3A_365 = arith.mulf %sub3A_316, %sub3A_316 : vector<16xf32>
        %add3A_366 = arith.addf %add3A_364, %mul3A_365 : vector<16xf32>
        %mul3A_367 = arith.mulf %sub3A_253, %sub3A_253 : vector<16xf32>
        %add3A_368 = arith.addf %scan3A_189, %mul3A_367 : vector<16xf32>
        %mul3A_369 = arith.mulf %sub3A_337, %sub3A_337 : vector<16xf32>
        %add3A_370 = arith.addf %add3A_368, %mul3A_369 : vector<16xf32>
        %mul3A_371 = arith.mulf %sub3A_274, %sub3A_274 : vector<16xf32>
        %add3A_372 = arith.addf %scan3A_190, %mul3A_371 : vector<16xf32>
        %mul3A_373 = arith.mulf %sub3A_358, %sub3A_358 : vector<16xf32>
        %add3A_374 = arith.addf %add3A_372, %mul3A_373 : vector<16xf32>
        scf.yield %add3A_362, %add3A_366, %add3A_370, %add3A_374 : vector<16xf32>, vector<16xf32>, vector<16xf32>, vector<16xf32>
      }
      %scan3A_185 = arith.constant 4 : i32
      scf.yield %scan3A_184#0, %scan3A_184#1, %scan3A_184#2, %scan3A_184#3 : vector<16xf32>, vector<16xf32>, vector<16xf32>, vector<16xf32>
    }
    %scan3A_168 = arith.constant 16 : i32
    %add3A_169 = arith.addf %scan3A_167#0, %scan3A_167#1 : vector<16xf32>
    %add3A_170 = arith.addf %scan3A_167#2, %scan3A_167#3 : vector<16xf32>
    %add3A_171 = arith.addf %add3A_169, %add3A_170 : vector<16xf32>
    %swap3A = arith.constant 0 : index
    %swap3A_172 = tpu.vector_load %arg9[%swap3A] {strides = array<i32>} : memref<16xf32, #tpu.memory_space<vmem>>, vector<16xf32>,
    %swap3A_173 = vector.shape_cast %swap3A_172 : vector<16xf32> to vector<16xf32>
    %swap3A_174 = vector.shape_cast %add3A_171 : vector<16xf32> to vector<16xf32>
    tpu.vector_store %arg9[%swap3A], %swap3A_174 {strides = array<i32>} : memref<16xf32, #tpu.memory_space<vmem>>, vector<16xf32>,
    "tpu.region"() ({
      %run_scoped3A = tpu.sem_alloc : memref<!tpu.dma_semaphore, #tpu.memory_space<semaphore_mem>>
      %dma_start3A_175 = arith.constant 0 : i32
      %dma_start3A_176 = tpu.memref_slice %arg5[%add3A, %dma_start3A_175] : memref<32x16xf32, #tpu.memory_space<hbm>> -> memref<1x16xf32, #tpu.memory_space<hbm>>
      %dma_start3A_177 = tpu.memref_squeeze %dma_start3A_176 : memref<1x16xf32, #tpu.memory_space<hbm>> -> memref<16xf32, #tpu.memory_space<hbm>>
      %dma_start3A_178 = arith.constant 0 : i32
      %dma_start3A_179 = tpu.memref_slice %arg5[%add3A, %dma_start3A_178] : memref<32x16xf32, #tpu.memory_space<hbm>> -> memref<1x16xf32, #tpu.memory_space<hbm>>
      %dma_start3A_180 = tpu.memref_squeeze %dma_start3A_179 : memref<1x16xf32, #tpu.memory_space<hbm>> -> memref<16xf32, #tpu.memory_space<hbm>>
      tpu.enqueue_dma source(%arg9 : memref<16xf32, #tpu.memory_space<vmem>>) target(%dma_start3A_180 : memref<16xf32, #tpu.memory_space<hbm>>) target_semaphore(%run_scoped3A : memref<!tpu.dma_semaphore, #tpu.memory_space<semaphore_mem>>)
      %dma_wait3A_181 = arith.constant 0 : i32
      %dma_wait3A_182 = tpu.memref_slice %arg5[%add3A, %dma_wait3A_181] : memref<32x16xf32, #tpu.memory_space<hbm>> -> memref<1x16xf32, #tpu.memory_space<hbm>>
      %dma_wait3A_183 = tpu.memref_squeeze %dma_wait3A_182 : memref<1x16xf32, #tpu.memory_space<hbm>> -> memref<16xf32, #tpu.memory_space<hbm>>
      %dma_wait3A_184 = arith.constant 0 : i32
      %dma_wait3A_185 = tpu.memref_slice %arg5[%add3A, %dma_wait3A_184] : memref<32x16xf32, #tpu.memory_space<hbm>> -> memref<1x16xf32, #tpu.memory_space<hbm>>
      %dma_wait3A_186 = tpu.memref_squeeze %dma_wait3A_185 : memref<1x16xf32, #tpu.memory_space<hbm>> -> memref<16xf32, #tpu.memory_space<hbm>>
      tpu.wait_dma2 semaphore(%run_scoped3A : memref<!tpu.dma_semaphore, #tpu.memory_space<semaphore_mem>>) src(%arg9 : memref<16xf32, #tpu.memory_space<vmem>>) dst(%dma_wait3A_186 : memref<16xf32, #tpu.memory_space<hbm>>)
      tpu.yield
    }) : () -> ()
    return
  }
}

module attributes {stable_mosaic.version = 14 : i64} {
  func.func @_tc_loss_block(%arg0: i32, %arg1: memref<512x512xf32, #tpu.memory_space<vmem>>, %arg2: memref<512xi32, #tpu.memory_space<vmem>>, %arg3: memref<1000x512xf32, #tpu.memory_space<vmem>>, %arg4: memref<32x16xf32, #tpu.memory_space<vmem>>, %arg5: memref<1000x512xbf16, #tpu.memory_space<vmem>>) attributes {dimension_semantics = [#tpu.dimension_semantics<arbitrary>], iteration_bounds = array<i64: 5>, scalar_prefetch = 0 : i64, scratch_operands = 1 : i64, tpu.core_type = #tpu.core_type<tc>, window_params = [{transform_indices = @transform_0, window_bounds = array<i64: 512, 512>}, {transform_indices = @transform_1, window_bounds = array<i64: 512>}, {pipeline_mode = #tpu.pipeline_mode<synchronous>, transform_indices = @transform_2, window_bounds = array<i64: 1000, 512>}, {pipeline_mode = #tpu.pipeline_mode<synchronous>, transform_indices = @transform_3, window_bounds = array<i64: 32, 16>}]} {
    %eq3A = arith.constant 0 : i32
    %eq3A_0 = arith.cmpi eq, %arg0, %eq3A : i32
    %convert_element_type3A = arith.extui %eq3A_0 : i1 to i32
    %cond3A = arith.constant 0 : i32
    %cond3A_1 = arith.cmpi ne, %convert_element_type3A, %cond3A : i32
    scf.if %cond3A_1 {
      %broadcast_in_dim3A_34 = arith.constant 0.000000e+00 : f32
      %broadcast_in_dim3A_35 = vector.broadcast %broadcast_in_dim3A_34 : f32 to vector<32x16xf32>
      %swap3A_36 = arith.constant 0 : index
      %swap3A_37 = arith.constant 0 : index
      %swap3A_38 = vector.load %arg4[%swap3A_36, %swap3A_37] : memref<32x16xf32, #tpu.memory_space<vmem>>, vector<32x16xf32>
      tpu.vector_store %arg4[%swap3A_36, %swap3A_37], %broadcast_in_dim3A_35 {strides = array<i32>} : memref<32x16xf32, #tpu.memory_space<vmem>>, vector<32x16xf32>,
      %get3A_39 = arith.constant 0 : index
      %get3A_40 = arith.constant 0 : index
      %get3A_41 = vector.load %arg3[%get3A_39, %get3A_40] : memref<1000x512xf32, #tpu.memory_space<vmem>>, vector<1000x512xf32>
      %convert_element_type3A_42 = arith.truncf %get3A_41 : vector<1000x512xf32> to vector<1000x512xbf16>
      %swap3A_43 = arith.constant 0 : index
      %swap3A_44 = arith.constant 0 : index
      %swap3A_45 = vector.load %arg5[%swap3A_43, %swap3A_44] : memref<1000x512xbf16, #tpu.memory_space<vmem>>, vector<1000x512xbf16>
      tpu.vector_store %arg5[%swap3A_43, %swap3A_44], %convert_element_type3A_42 {strides = array<i32>} : memref<1000x512xbf16, #tpu.memory_space<vmem>>, vector<1000x512xbf16>,
    } else {
    }
    %get3A = arith.constant 0 : index
    %get3A_2 = vector.load %arg2[%get3A] : memref<512xi32, #tpu.memory_space<vmem>>, vector<512xi32>
    %iota3A = tpu.iota {dimensions = array<i32: 0>} : vector<1000x512xi32>
    %broadcast_in_dim3A = vector.shape_cast %get3A_2 : vector<512xi32> to vector<1x512xi32>
    %eq3A_3 = vector.broadcast %broadcast_in_dim3A : vector<1x512xi32> to vector<1000x512xi32>
    %eq3A_4 = arith.cmpi eq, %iota3A, %eq3A_3 : vector<1000x512xi32>
    %convert_element_type3A_5 = arith.extui %eq3A_4 : vector<1000x512xi1> to vector<1000x512xi32>
    %convert_element_type3A_6 = arith.sitofp %convert_element_type3A_5 : vector<1000x512xi32> to vector<1000x512xf32>
    %convert_element_type3A_7 = arith.truncf %convert_element_type3A_6 : vector<1000x512xf32> to vector<1000x512xbf16>
    %get3A_8 = arith.constant 0 : index
    %get3A_9 = arith.constant 0 : index
    %get3A_10 = vector.load %arg5[%get3A_8, %get3A_9] : memref<1000x512xbf16, #tpu.memory_space<vmem>>, vector<1000x512xbf16>
    %dot_general3A = arith.constant dense<0.000000e+00> : vector<512x512xf32>
    %dot_general3A_11 = tpu.matmul %convert_element_type3A_7, %get3A_10, %dot_general3A {dimension_numbers = #tpu.dot_dimension_numbers<[0], [0], [1], [1], [0, 1, 1, 1], [], []>, transpose_lhs_hint = false} : vector<1000x512xbf16>, vector<1000x512xbf16>, vector<512x512xf32> -> vector<512x512xf32>
    %get3A_12 = arith.constant 0 : index
    %get3A_13 = arith.constant 0 : index
    %get3A_14 = vector.load %arg1[%get3A_12, %get3A_13] : memref<512x512xf32, #tpu.memory_space<vmem>>, vector<512x512xf32>
    %sub3A = arith.subf %get3A_14, %dot_general3A_11 : vector<512x512xf32>
    %mul3A = arith.mulf %sub3A, %sub3A : vector<512x512xf32>
    %reduce_sum3A = vector.shape_cast %mul3A : vector<512x512xf32> to vector<1x512x512xf32>
    %reduce_sum3A_15 = arith.constant dense<0.000000e+00> : vector<1xf32>
    %reduce_sum3A_16 = vector.multi_reduction <add>, %reduce_sum3A, %reduce_sum3A_15 [1, 2] : vector<1x512x512xf32> to vector<1xf32>
    %reduce_sum3A_17 = vector.shape_cast %reduce_sum3A_16 : vector<1xf32> to vector<1x1x1xf32>
    %reduce_sum3A_18 = vector.extract %reduce_sum3A_17[0, 0, 0] : f32 from vector<1x1x1xf32>
    %iota3A_19 = tpu.iota {dimensions = array<i32: 0>} : vector<32x16xi32>
    %eq3A_20 = arith.constant 0 : i32
    %eq3A_21 = vector.broadcast %eq3A_20 : i32 to vector<32x16xi32>
    %eq3A_22 = arith.cmpi eq, %iota3A_19, %eq3A_21 : vector<32x16xi32>
    %iota3A_23 = tpu.iota {dimensions = array<i32: 1>} : vector<32x16xi32>
    %eq3A_24 = arith.constant 0 : i32
    %eq3A_25 = vector.broadcast %eq3A_24 : i32 to vector<32x16xi32>
    %eq3A_26 = arith.cmpi eq, %iota3A_23, %eq3A_25 : vector<32x16xi32>
    %and3A = arith.andi %eq3A_22, %eq3A_26 : vector<32x16xi1>
    %get3A_27 = arith.constant 0 : index
    %get3A_28 = arith.constant 0 : index
    %get3A_29 = vector.load %arg4[%get3A_27, %get3A_28] : memref<32x16xf32, #tpu.memory_space<vmem>>, vector<32x16xf32>
    %jit3A = arith.constant 0.000000e+00 : f32
    %broadcast_in_dim3A_30 = vector.broadcast %reduce_sum3A_18 : f32 to vector<32x16xf32>
    %broadcast_in_dim3A_31 = vector.broadcast %jit3A : f32 to vector<32x16xf32>
    %select_n3A = arith.select %and3A, %broadcast_in_dim3A_30, %broadcast_in_dim3A_31 : vector<32x16xi1>, vector<32x16xf32>
    %add3A = arith.addf %get3A_29, %select_n3A : vector<32x16xf32>
    %swap3A = arith.constant 0 : index
    %swap3A_32 = arith.constant 0 : index
    %swap3A_33 = vector.load %arg4[%swap3A, %swap3A_32] : memref<32x16xf32, #tpu.memory_space<vmem>>, vector<32x16xf32>
    tpu.vector_store %arg4[%swap3A, %swap3A_32], %add3A {strides = array<i32>} : memref<32x16xf32, #tpu.memory_space<vmem>>, vector<32x16xf32>,
    return
  }
  func.func @transform_0(%arg0: i32) -> (i32, i32) {
    %add3A = arith.constant 3 : i32
    %add3A_0 = arith.addi %arg0, %add3A : i32
    %c0_i32 = arith.constant 0 : i32
    %c0_i32_1 = arith.constant 0 : i32
    return %add3A_0, %c0_i32 : i32, i32
  }
  func.func @transform_1(%arg0: i32) -> i32 {
    %add3A = arith.constant 3 : i32
    %add3A_0 = arith.addi %arg0, %add3A : i32
    %c0_i32 = arith.constant 0 : i32
    return %add3A_0 : i32
  }
  func.func @transform_2(%arg0: i32) -> (i32, i32) {
    %c0_i32 = arith.constant 0 : i32
    %c0_i32_0 = arith.constant 0 : i32
    %c0_i32_1 = arith.constant 0 : i32
    return %c0_i32, %c0_i32_0 : i32, i32
  }
  func.func @transform_3(%arg0: i32) -> (i32, i32) {
    %c0_i32 = arith.constant 0 : i32
    %c0_i32_0 = arith.constant 0 : i32
    %c0_i32_1 = arith.constant 0 : i32
    return %c0_i32, %c0_i32_0 : i32, i32
  }
}

</mosaic_0001>

<sc_bundles>
// kernel: kernel.4.cloned.1.call-start
scs
__scs_entry_jumppad:
0x0: {  	(pc) =	sbr.rel $0x88, $3  }
0x1: {  	(tag) =	ssettag $0x0;
	lr =	simm.s32 $0x1  }
0x2: {  	[smem:$0x3F9E] =	sst lr;
	_ =	strace $0xD0000000  }
0x3: {  	_ = 	snop  }
0x4: {  	_ = 	snop  }
0x5: {  	_ = 	snop  }
0x6: {  	_ = 	snop  }
0x7: {  	_ = 	snop  }
__scs_overlays_trampoline_lowered:
0x8: {  	[smem:$0x3FAD] =	sst s0  }
0x9: {  	[smem:$0x3FAE] =	sst s1  }
0xa: {  	[smem:$0x3FAF] =	sst s2  }
0xb: {  	[smem:$0x3FB0] =	sst s3  }
0xc: {  	[smem:$0x3FB1] =	sst s4  }
0xd: {  	[smem:$0x3FB2] =	sst s5  }
0xe: {  	[smem:$0x3FB3] =	sst s6  }
0xf: {  	[smem:$0x3FB4] =	sst s7  }
0x10: {  	[smem:$0x3FB5] =	sst s8  }
0x11: {  	[smem:$0x3FB6] =	sst s9;
	s0 =	simm.s32 @!p0 $0x0  }
0x12: {  	s1 =	sld [smem:$0x3F9C];
	s0 =	simm.s32 @p0 $0x1  }
0x13: {  	[smem:$0x3FB7] =	sst s0;
	s0 =	simm.s32 @!p1 $0x0  }
0x14: {  	s2 =	sld [smem:$0x3F9B];
	s0 =	simm.s32 @p1 $0x1  }
0x15: {  	[smem:$0x3FB8] =	sst s0;
	s0 =	simm.s32 @!p2 $0x0  }
0x16: {  	s3 =	sld [smem:$0x3FDB];
	s0 =	simm.s32 @p2 $0x1  }
0x17: {  	s4 =	simm.s32 $0x1BF5;
	[smem:$0x3FBA] =	sst s0  }
0x18: {  	s0 =	sld [smem:$0x3F9D];
	_ =	swait.ge [sflag:s4], $0x0  }
0x19: {  	s7 =	sld [smem:$0x3F9E]  }
0x1a: {  	s8 =	sadd.s32 $0xFFFFE003, lr  }
0x1b: {  	s9 =	sadd.s32 $0xFFFFFEF7, lr;
	s5 =	simm.s32 $0xFFFFFFFF;
	p2 =	slt.u32 s8, $0xFFFFF086  }
0x1c: {  	p1 =	slt.u32 s9, $0xF7A;
	s5 =	simm.s32 @!p2 $0x0  }
0x1d: {  	s5 =	simm.s32 @p1 $0x1;
	p0 =	seq.s32 s7, s2  }
0x1e: {  	s7 =	smul.u32 @!p0 $0xF7A, s2;
	p2 =	seq.s32 @!p0 s5, $0x0  }
0x1f: {  	s9 =	smul.u32 $0xF7A, s1;
	s8 =	simm.s32 @!p0 $0x1BF5;
	p2 =	por !p2, p0  }
0x20: {  	[sflag:s8] =	ssyncset.s32 @!p0 $0xFFFFF086;
	s6 =	sadd.s32 @!p0 s3, s7;
	s7 =	simm.s32 @!p0 $0x108  }
0x21: {  	s3 =	sadd.s32 s3, s9;
	s6 =	sadd.s32 @!p0 $0x88, s6;
	s7 =	simm.s32 @p2 $0x1082  }
0x22: {  	[simem:s7], [sflag:s8] =	dma.local @!p0 [hbm:s6], $0xF7A  }
0x23: {  	s9 =	sor.u32 $0xD0000000, s2;
	s6 =	simm.s32 $0x108;
	_ =	swait.ge @!p0 [sflag:s8], $0x0  }
0x24: {  	s3 =	sadd.s32 $0x88, s3;
	s6 =	simm.s32 @!p1 $0x1082;
	[sflag:s4] =	ssyncset.s32 $0xFFFFF086  }
0x25: {  	[simem:s6], [sflag:s4] =	dma.local [hbm:s3], $0xF7A  }
0x26: {  	[smem:$0x3F9E] =	sst s1;
	(tag) =	ssettag s2;
	_ =	strace s9  }
0x27: {  	s1 =	sld [smem:$0x3FAE]  }
0x28: {  	s2 =	sld [smem:$0x3FAF]  }
0x29: {  	s4 =	sld [smem:$0x3FB1]  }
0x2a: {  	p0 =	seq.s32 s5, $0x0;
	s5 =	sld [smem:$0x3FB2]  }
0x2b: {  	s6 =	sld [smem:$0x3FB3]  }
0x2c: {  	s7 =	sld [smem:$0x3FB4]  }
0x2d: {  	s3 =	simm.s32 $0x108;
	s8 =	sld [smem:$0x3FB5]  }
0x2e: {  	s3 =	simm.s32 @!p0 $0x1082;
	s9 =	sld [smem:$0x3FB6]  }
0x2f: {  	lr =	sadd.s32 s0, s3;
	s0 =	sld [smem:$0x3FAD]  }
0x30: {  	s3 =	sld [smem:$0x3FB0]  }
0x31: {  	[smem:$0x3FB9] =	sst s10  }
0x32: {  	s10 =	sld [smem:$0x3FB7];
	_ =	sdelay $0x3  }
0x33: {  	p0 =	seq.s32 s10, $0x1;
	s10 =	sld [smem:$0x3FB9];
	_ =	sdelay $0x3  }
0x34: {  	[smem:$0x3FB9] =	sst s10  }
0x35: {  	s10 =	sld [smem:$0x3FB8];
	_ =	sdelay $0x3  }
0x36: {  	p1 =	seq.s32 s10, $0x1;
	s10 =	sld [smem:$0x3FB9];
	_ =	sdelay $0x3  }
0x37: {  	[smem:$0x3FB9] =	sst s10  }
0x38: {  	s10 =	sld [smem:$0x3FBA]  }
0x39: {  	_ = 	snop;
	(pc) =	sbr.ind lr, $3  }
0x3a: {  	_ = 	snop  }
0x3b: {  	_ = 	snop  }
0x3c: {  	p2 =	seq.s32 s10, $0x1;
	s10 =	sld [smem:$0x3FB9]  }
0x3d: {  	_ =	shalt  }
0x3e: {  	_ =	shalt  }
0x3f: {  	_ =	shalt  }
0x40: {  	_ =	shalt  }
0x41: {  	_ =	shalt  }
0x42: {  	_ =	shalt  }
0x43: {  	_ =	shalt  }
0x44: {  	_ =	shalt  }
0x45: {  	_ =	shalt  }
0x46: {  	_ =	shalt  }
0x47: {  	_ =	shalt  }
0x48: {  	_ =	shalt  }
0x49: {  	_ =	shalt  }
0x4a: {  	_ =	shalt  }
0x4b: {  	_ =	shalt  }
0x4c: {  	_ =	shalt  }
0x4d: {  	_ =	shalt  }
0x4e: {  	_ =	shalt  }
0x4f: {  	_ =	shalt  }
0x50: {  	_ =	shalt  }
0x51: {  	_ =	shalt  }
0x52: {  	_ =	shalt  }
0x53: {  	_ =	shalt  }
0x54: {  	_ =	shalt  }
0x55: {  	_ =	shalt  }
0x56: {  	_ =	shalt  }
0x57: {  	_ =	shalt  }
0x58: {  	_ =	shalt  }
0x59: {  	_ =	shalt  }
0x5a: {  	_ =	shalt  }
0x5b: {  	_ =	shalt  }
0x5c: {  	_ =	shalt  }
0x5d: {  	_ =	shalt  }
0x5e: {  	_ =	shalt  }
0x5f: {  	_ =	shalt  }
0x60: {  	_ =	shalt  }
0x61: {  	_ =	shalt  }
0x62: {  	_ =	shalt  }
0x63: {  	_ =	shalt  }
0x64: {  	_ =	shalt  }
0x65: {  	_ =	shalt  }
0x66: {  	_ =	shalt  }
0x67: {  	_ =	shalt  }
0x68: {  	_ =	shalt  }
0x69: {  	_ =	shalt  }
0x6a: {  	_ =	shalt  }
0x6b: {  	_ =	shalt  }
0x6c: {  	_ =	shalt  }
0x6d: {  	_ =	shalt  }
0x6e: {  	_ =	shalt  }
0x6f: {  	_ =	shalt  }
0x70: {  	_ =	shalt  }
0x71: {  	_ =	shalt  }
0x72: {  	_ =	shalt  }
0x73: {  	_ =	shalt  }
0x74: {  	_ =	shalt  }
0x75: {  	_ =	shalt  }
0x76: {  	_ =	shalt  }
0x77: {  	_ =	shalt  }
0x78: {  	_ =	shalt  }
0x79: {  	_ =	shalt  }
0x7a: {  	_ =	shalt  }
0x7b: {  	_ =	shalt  }
0x7c: {  	_ =	shalt  }
0x7d: {  	_ =	shalt  }
0x7e: {  	_ =	shalt  }
0x7f: {  	_ =	shalt  }
0x80: {  	_ =	shalt  }
0x81: {  	_ =	shalt  }
0x82: {  	_ =	shalt  }
0x83: {  	_ =	shalt  }
0x84: {  	_ =	shalt  }
0x85: {  	_ =	shalt  }
0x86: {  	_ =	shalt  }
0x87: {  	_ =	shalt  }
.Lfunc_end0:
.L_simem_size_0:
called_computation_lowered:
.L_overlay_start_0:
0x88: {  	s2 =	sld [smem:$0x3FD9]  }
0x89: {  	s3 =	sld [smem:$0x3FFE];
	_ =	sdelay $0x1  }
0x8a: {  	s1 =	srdreg.scid  }
0x8b: {  	s0 =	sand.u32 $0x1, s1  }
0x8c: {  	s17 =	sshll.u32 s0, $0xA;
	s2 =	sadd.s32 s3, s2  }
0x8d: {  	s2 =	sadd.s32 s2, s17  }
0x8e: {  	[smem:$0x3FC5] =	sst s2  }
0x8f: {  	_ = 	snop  }
0x90: {  	s2 =	sld [smem:$0x3FC9]  }
0x91: {  	s18 =	sld [smem:$0x3FC8]  }
0x92: {  	s4 =	sld [smem:$0x3FC7];
	(tm) =	ssettm $0x1  }
0x93: {  	s5 =	sld [smem:$0x3FFB];
	_ =	sdelay $0x3  }
0x94: {  	_ =	strace s5  }
0x95: {  	s5 =	sld [smem:$0x3FFC];
	_ =	sdelay $0x3  }
0x96: {  	_ =	strace s5  }
0x97: {  	s5 =	sld [smem:$0x3FFD];
	_ =	sdelay $0x3  }
0x98: {  	_ =	strace s5  }
0x99: {  	_ =	strace $0x8FFFFFFF  }
0x9a: {  	s19 =	sld [smem:$0x3FDB];
	_ =	sdelay $0x1  }
0x9b: {  	s6 =	simm.s32 $_scs_section_size  }
0x9c: {  	s7 =	simm.s32 $_size__tile_overlayer_lowered;
	s8 =	simm.s32 $_tile_overlayer_lowered  }
0x9d: {  	s22 =	simm.s32 $0x1BFF;
	s21 =	sshll.u32 s8, $0x1;
	s5 =	sadd.s32 s6, s19  }
0x9e: {  	s9 =	simm.s32 $0x0;
	s20 =	sshll.u32 s7, $0x1;
	s7 =	sadd.s32 s21, s5  }
0x9f: {  	[timem:s9], [sflag:s22] =	dma.local [hbm:s7], s20  }
0xa0: {  	_ =	swait.ge [sflag:s22], s20  }
0xa1: {  	s6 =	ssub.s32 $0x0, s20;
	[sflag:s22] =	ssyncset.done $0x0  }
0xa2: {  	[sflag:s22] =	ssyncadd.s32 s6;
	_ =	sdelay $0x1  }
0xa3: {  	s23 =	simm.s32 $0x1B8B  }
0xa4: {  	_ =	swait.ge [sflag:s23], $0x1  }
0xa5: {  	[sflag:s23] =	ssyncset.done $0x0  }
0xa6: {  	s25 =	simm.s32 $0x1B8E;
	s24 =	sld [smem:$0x3FFE];
	[sflag:s23] =	ssyncadd.s32 $0xFFFFFFFF  }
0xa7: {  	s26 =	simm.s32 $execute0_lowered;
	[smem:$0x3FD2] =	sst s25  }
0xa8: {  	s7 =	sshll.u32 s26, $0x1;
	_ =	strace $0x80000046;
	[dreg:$0x1] =	wrdreg $0xFFFFFFFF  }
0xa9: {  	s28 =	simm.s32 $_size_execute0_lowered;
	s5 =	sadd.s32 s5, s7;
	[dreg:$0x0] =	wrdreg $0x0  }
0xaa: {  	s7 =	sshll.u32 s28, $0x1;
	[dreg:$0x2] =	wrdreg s5  }
0xab: {  	[dreg:$0x3] =	wrdreg s7  }
0xac: {  	[dreg:$0x4] =	wrdreg $0xC0  }
0xad: {  	_ =	task [dreg:s9], $0x5FFFF  }
0xae: {  	[dreg:$0x1] =	wrdreg $0xFFFFFFFF  }
0xaf: {  	[dreg:$0x0] =	wrdreg $0x60  }
0xb0: {  	[dreg:$0x2] =	wrdreg s2  }
0xb1: {  	[dreg:$0x3] =	wrdreg s18  }
0xb2: {  	[dreg:$0x4] =	wrdreg s4  }
0xb3: {  	[dreg:$0x5] =	wrdreg s24  }
0xb4: {  	[dreg:$0x6] =	wrdreg $0x9  }
0xb5: {  	_ =	task.clear_ibuf [dreg:s9], $0x7FFFF;
	_ =	strace $0x90000046  }
0xb6: {  	s29 =	simm.s32 $0x9;
	_ =	strace $0x80000048  }
0xb7: {  	_ =	swait.ge [sflag:s29], $0x1  }
0xb8: {  	[sflag:s29] =	ssyncadd.s32 $0xFFFFFFFF  }
0xb9: {  	_ =	strace $0x90000048  }
0xba: {  	_ =	sfence  }
0xbb: {  	s30 =	sld [smem:$0x0];
	_ =	sdelay $0x2  }
0xbc: {  	s31 =	sshll.u32 s1, $0xD;
	s1 =	sshrl.u32 s1, $0x2  }
0xbd: {  	s3 =	sand.u32 $0x4000, s31;
	s1 =	sadd.s32 s1, s30  }
0xbe: {  	s0 =	sor.u32 s3, s0;
	s1 =	sshll.u32 s1, $0x11  }
0xbf: {  	s0 =	sor.u32 s1, s0  }
0xc0: {  	s0 =	sadd.s32 $0x8F2B, s0  }
0xc1: {  	[sflag:s0] =	ssyncadd.remote.s32 $0x1  }
0xc2: {  	_ =	sfence.sel $0xFFFF  }
0xc3: {  	[dreg:$0x0] =	wrdreg $0xFFFFFFFF;
	(pc) =	sbr.abs _section_cstart, $3  }
0xc4: {  	[dreg:$0x1] =	wrdreg $0xFFFFFFFF  }
0xc5: {  	_ =	task.clear_ibuf [dreg:s9], $0x2FFFF;
	_ =	strace $0x9FFFFFFF  }
0xc6: {  	(tm) =	ssettm $0x7FFFFFFF  }
0xc7: {  	_ =	shalt  }
tec
execute0_lowered:
.L_overlay_start_1:
0x0: {  	(tag) =	ssettag $0x1  }
0x1: {  	s6 =	rddreg [dreg:$0x0]  }
0x2: {  	s4 =	rddreg [dreg:$0x1]  }
0x3: {  	s2 =	rddreg [dreg:$0x2]  }
0x4: {  	s5 =	rddreg [dreg:$0x3]  }
0x5: {  	s0 =	rddreg [dreg:$0x4];
	s7 =	srdreg.scid  }
0x6: {  	s1 =	stileid.u32;
	s3 =	simm.s32 $0x0;
	s12 =	simm.s32 $0x4080  }
0x7: {  	s13 =	simm.s32 $0x4880;
	s14 =	simm.s32 $0x5080;
	s15 =	simm.s32 $0x5880  }
0x8: {  	s16 =	simm.s32 $0x80;
	s17 =	simm.s32 $0x6080;
	s18 =	simm.s32 $0x6880  }
0x9: {  	s19 =	simm.s32 $0x7080;
	s20 =	simm.s32 $0x7880;
	s21 =	simm.s32 $0x2080  }
0xa: {  	s22 =	simm.s32 $0x1;
	s7 =	sand.u32 $0x1, s7;
	s8 =	sshll.u32 s1, $0x1  }
0xb: {  	s23 =	simm.s32 $0x2;
	s24 =	simm.s32 $0x8080;
	s8 =	sor.u32 s7, s8  }
0xc: {  	s25 =	simm.s32 $0x0;
	[smem:$0x7FF] =	sst s3;
	s10 =	smul.u32 $0x6000, s8  }
0xd: {  	_ =	strace $0x80000047;
	s30 =	ssub.s32 $0x2, s7;
	s31 =	smul.u32 $0x6, s8  }
0xe: {  	s9 =	sshll.u32 s8, $0x4;
	s11 =	sshrl.u32 s30, $0x1;
	s8 =	smul.u32 $0xC00, s8  }
0xf: {  	s9 =	sadd.s32 s9, s5;
	s11 =	ssub.s32 s30, s11;
	s10 =	sshrl.u32 s10, $0x3  }
0x10: {  	v2 =	vlaneseq.u32;
	s5 =	sadd.s32 $0x100, s2;
	s4 =	sadd.s32 s4, s31;
	s10 =	sadd.s32 s6, s10  }
0x11: {  	vm0 =	vmmov $0xffff;
	v1 =	vshrl.u32 v2, $0x3;
	s9 =	sadd.s32 $0x600, s9;
	s6 =	sadd.s32 s6, s8;
	s7 =	sadd.s32 $0x400, s10  }
0x12: {  	v0 =	vand.u32 $0x7, v2;
	v2 =	vor.u32 $0x8, v2;
	v1 =	vmul.u32 $0x8, v1;
	s8 =	sadd.s32 $0x800, s10;
	s10 =	smax.u32 s11, $0x1;
	s11 =	simm.s32 $0x3  }
.LBB2_1:
0x13: {  	[tilespmem:s3], [sflag:$0x3] =	stream.linear.gather [hbm4b:s4+s3], $0x30, $0x38;
	[tilespmem:$0x8100] =	vst v63  }
0x14: {  	_ =	swait.ge [sflag:s11], $0x30  }
0x15: {  	[sflag:s11] =	ssyncset.done $0x0  }
0x16: {  	[sflag:s11] =	ssyncadd.s32 $0xFFFFFFD0  }
0x17: {  	v3 =	vld [tilespmem:$0x0];
	_ =	sdelay $0x4  }
0x18: {  	v4 =	vshll.u32 v3, $0x2  }
0x19: {  	v3 =	vand.u32 $0x7, v3;
	v4 =	vand.u32 $0xFFFFFFE0, v4  }
0x1a: {  	v3 =	vor.u32 v3, v4  }
0x1b: {  	v4 =	vperm.xlane v3, v0;
	_ =	sdelay $0x1  }
0x1c: {  	v4 =	vadd.s32 v1, v4;
	_ =	sdelay $0x1  }
0x1d: {  	v3 =	vperm.xlane v3, v2;
	_ =	sdelay $0x1  }
0x1e: {  	v3 =	vadd.s32 v1, v3  }
0x1f: {  	[tilespmem:s12], [sflag:$0x1] =	stream.indirect_vreg.gather [hbm4b:s2+s3], $0x80, v4, vm0, $0xb8;
	[tilespmem:$0x8100] =	vst v63  }
0x20: {  	_ = 	snop  }
0x21: {  	[tilespmem:s13], [sflag:$0x1] =	stream.indirect_vreg.gather [hbm4b:s5+s3], $0x80, v4, vm0, $0xb8;
	[tilespmem:$0x8100] =	vst v63  }
0x22: {  	_ = 	snop  }
0x23: {  	[tilespmem:s14], [sflag:$0x1] =	stream.indirect_vreg.gather [hbm4b:s2+s3], $0x80, v3, vm0, $0xb8;
	[tilespmem:$0x8100] =	vst v63  }
0x24: {  	_ = 	snop  }
0x25: {  	[tilespmem:s15], [sflag:$0x1] =	stream.indirect_vreg.gather [hbm4b:s5+s3], $0x80, v3, vm0, $0xb8;
	[tilespmem:$0x8100] =	vst v63  }
0x26: {  	_ = 	snop  }
0x27: {  	[tilespmem:s16], [sflag:$0x1] =	stream.linear.gather [hbm4b:s6+s3], $0x2000, $0x38;
	[tilespmem:$0x8100] =	vst v63  }
0x28: {  	v3 =	vld [tilespmem:$0x10];
	_ =	sdelay $0x4  }
0x29: {  	v4 =	vshll.u32 v3, $0x2  }
0x2a: {  	v3 =	vand.u32 $0x7, v3;
	v4 =	vand.u32 $0xFFFFFFE0, v4  }
0x2b: {  	v3 =	vor.u32 v3, v4  }
0x2c: {  	v4 =	vperm.xlane v3, v0;
	_ =	sdelay $0x1  }
0x2d: {  	v4 =	vadd.s32 v1, v4;
	_ =	sdelay $0x1  }
0x2e: {  	v3 =	vperm.xlane v3, v2;
	_ =	sdelay $0x1  }
0x2f: {  	v3 =	vadd.s32 v1, v3  }
0x30: {  	[tilespmem:s17], [sflag:$0x2] =	stream.indirect_vreg.gather [hbm4b:s2+s3], $0x80, v4, vm0, $0xb8;
	[tilespmem:$0x8100] =	vst v63  }
0x31: {  	_ = 	snop  }
0x32: {  	[tilespmem:s18], [sflag:$0x2] =	stream.indirect_vreg.gather [hbm4b:s5+s3], $0x80, v4, vm0, $0xb8;
	[tilespmem:$0x8100] =	vst v63  }
0x33: {  	_ = 	snop  }
0x34: {  	[tilespmem:s19], [sflag:$0x2] =	stream.indirect_vreg.gather [hbm4b:s2+s3], $0x80, v3, vm0, $0xb8;
	[tilespmem:$0x8100] =	vst v63  }
0x35: {  	_ = 	snop  }
0x36: {  	[tilespmem:s20], [sflag:$0x2] =	stream.indirect_vreg.gather [hbm4b:s5+s3], $0x80, v3, vm0, $0xb8;
	[tilespmem:$0x8100] =	vst v63  }
0x37: {  	_ = 	snop  }
0x38: {  	[tilespmem:s21], [sflag:$0x2] =	stream.linear.gather [hbm4b:s7+s3], $0x2000, $0x38;
	[tilespmem:$0x8100] =	vst v63  }
0x39: {  	_ =	swait.ge [sflag:s22], $0x2000  }
0x3a: {  	[sflag:s22] =	ssyncset.done $0x0  }
0x3b: {  	[sflag:s22] =	ssyncadd.s32 $0xFFFFE000  }
0x3c: {  	_ =	swait.ge [sflag:s22], $0x2000  }
0x3d: {  	s26 =	simm.s32 $0x0;
	v5 =	vimm.f32 $0.0e+00;
	[sflag:s22] =	ssyncset.done $0x0  }
0x3e: {  	s28 =	simm.s32 $0x0;
	v6 =	vimm.f32 $0.0e+00;
	s29 =	simm.s32 $0x0;
	v4 =	vimm.f32 $0.0e+00;
	v3 =	vimm.f32 $0.0e+00;
	[sflag:s22] =	ssyncadd.s32 $0xFFFFE000  }
.LBB2_2:
0x3f: {  	s30 =	sshll.u32 s28, $0x2;
	s31 =	sand.u32 $0x7, s26  }
0x40: {  	s30 =	sand.u32 $0xFFFFC000, s30;
	s31 =	sshll.u32 s31, $0x9  }
0x41: {  	s30 =	sor.u32 s31, s30  }
0x42: {  	s30 =	sshrl.u32 s30, $0x2  }
0x43: {  	s31 =	sadd.s32 $0xC0, s30  }
0x44: {  	s30 =	sadd.s32 $0x40F0, s30;
	v8 =	vmov s31  }
0x45: {  	v9 =	vmov s30;
	_ =	sdelay $0x2  }
0x46: {  	s30 =	simm.s32 $0x0  }
0x47: {  	v10 =	vld.idx.msk [tilespmem:v8+s30+$0x0 ss:$0x1], $0xffff  }
0x48: {  	v13 =	vld.idx.msk [tilespmem:v9+s30+$0xFFFFFFD0 ss:$0x1], $0xffff  }
0x49: {  	v11 =	vld.idx.msk [tilespmem:v8+s30+$0x10 ss:$0x1], $0xffff  }
0x4a: {  	v14 =	vld.idx.msk [tilespmem:v9+s30+$0xFFFFFFE0 ss:$0x1], $0xffff  }
0x4b: {  	v7 =	vld.idx.msk [tilespmem:v8+s30+$0x20 ss:$0x1], $0xffff  }
0x4c: {  	v12 =	vld.idx.msk [tilespmem:v9+s30+$0xFFFFFFF0 ss:$0x1], $0xffff  }
0x4d: {  	v15 =	vld.idx.msk [tilespmem:v8+s30+$0xFFFFFFC0 ss:$0x1], $0xffff  }
0x4e: {  	v16 =	vld.idx.msk [tilespmem:v9+s30+$0xFFFFFF90 ss:$0x1], $0xffff  }
0x4f: {  	v17 =	vld.idx.msk [tilespmem:v8+s30+$0xFFFFFFD0 ss:$0x1], $0xffff  }
0x50: {  	v18 =	vld.idx.msk [tilespmem:v9+s30+$0xFFFFFFA0 ss:$0x1], $0xffff  }
0x51: {  	v19 =	vld.idx.msk [tilespmem:v8+s30+$0xFFFFFFE0 ss:$0x1], $0xffff  }
0x52: {  	v21 =	vld.idx.msk [tilespmem:v9+s30+$0xFFFFFFB0 ss:$0x1], $0xffff  }
0x53: {  	s31 =	simm.s32 $0x1000;
	v20 =	vld.idx.msk [tilespmem:v8+s30+$0xFFFFFFF0 ss:$0x1], $0xffff  }
.LBB2_3:
0x54: {  	p0 =	sne.s32 s31, $0x3000;
	v22 =	vld.idx.msk [tilespmem:v9+s30+$0xFFFFFFC0 ss:$0x1], $0xffff  }
0x55: {  	v23 =	vld.idx.msk [tilespmem:v8+s30+$0x30 ss:$0x1], $0xffff  }
0x56: {  	v24 =	vld.idx.msk [tilespmem:v9+s30+$0x0 ss:$0x1], $0xffff;
	s30 =	sshra.s32 s31, $0x2  }
0x57: {  	v25 =	vsub.f32 v10, v13;
	v10 =	vld.idx.msk [tilespmem:v8+s30+$0x0 ss:$0x1], $0xffff  }
0x58: {  	v15 =	vsub.f32 v15, v16;
	v16 =	vsub.f32 v11, v14;
	v13 =	vld.idx.msk [tilespmem:v9+s30+$0xFFFFFFD0 ss:$0x1], $0xffff  }
0x59: {  	v17 =	vsub.f32 v17, v18;
	v18 =	vsub.f32 v19, v21;
	v11 =	vld.idx.msk [tilespmem:v8+s30+$0x10 ss:$0x1], $0xffff  }
0x5a: {  	v21 =	vmul.f32 v16, v16;
	v19 =	vsub.f32 v20, v22;
	v20 =	vmul.f32 v25, v25;
	v14 =	vld.idx.msk [tilespmem:v9+s30+$0xFFFFFFE0 ss:$0x1], $0xffff  }
0x5b: {  	v16 =	vsub.f32 v7, v12;
	v17 =	vmul.f32 v17, v17;
	v22 =	vmul.f32 v15, v15;
	v7 =	vld.idx.msk [tilespmem:v8+s30+$0x20 ss:$0x1], $0xffff  }
0x5c: {  	v18 =	vmul.f32 v18, v18;
	v23 =	vsub.f32 v23, v24;
	v19 =	vmul.f32 v19, v19;
	v12 =	vld.idx.msk [tilespmem:v9+s30+$0xFFFFFFF0 ss:$0x1], $0xffff  }
0x5d: {  	v5 =	vadd.f32 v17, v5;
	v6 =	vadd.f32 v22, v6;
	v22 =	vmul.f32 v16, v16;
	v15 =	vld.idx.msk [tilespmem:v8+s30+$0xFFFFFFC0 ss:$0x1], $0xffff  }
0x5e: {  	v4 =	vadd.f32 v18, v4;
	v3 =	vadd.f32 v19, v3;
	v19 =	vmul.f32 v23, v23;
	v16 =	vld.idx.msk [tilespmem:v9+s30+$0xFFFFFF90 ss:$0x1], $0xffff  }
.Ltmp0:
0x5f: {  	v5 =	vadd.f32 v21, v5;
	v6 =	vadd.f32 v20, v6;
	v17 =	vld.idx.msk [tilespmem:v8+s30+$0xFFFFFFD0 ss:$0x1], $0xffff;
	(pc) =	sbr.rel @p0 .LBB2_3-.Ltmp0, $4  }
0x60: {  	v4 =	vadd.f32 v22, v4;
	v3 =	vadd.f32 v19, v3;
	v18 =	vld.idx.msk [tilespmem:v9+s30+$0xFFFFFFA0 ss:$0x1], $0xffff  }
0x61: {  	v19 =	vld.idx.msk [tilespmem:v8+s30+$0xFFFFFFE0 ss:$0x1], $0xffff  }
0x62: {  	v21 =	vld.idx.msk [tilespmem:v9+s30+$0xFFFFFFB0 ss:$0x1], $0xffff  }
0x63: {  	s31 =	sadd.s32 $0x1000, s31;
	v20 =	vld.idx.msk [tilespmem:v8+s30+$0xFFFFFFF0 ss:$0x1], $0xffff  }
0x64: {  	_ =	sdelay $0x3  }
0x65: {  	v22 =	vld.idx.msk [tilespmem:v9+s30+$0xFFFFFFC0 ss:$0x1], $0xffff  }
0x66: {  	v8 =	vld.idx.msk [tilespmem:v8+s30+$0x30 ss:$0x1], $0xffff  }
0x67: {  	v55 =	vld.idx.msk [tilespmem:v9+s30+$0x0 ss:$0x1], $0xffff;
	v10 =	vsub.f32 v10, v13  }
0x68: {  	v11 =	vsub.f32 v11, v14  }
0x69: {  	v56 =	vsub.f32 v15, v16;
	v57 =	vsub.f32 v17, v18;
	v10 =	vmul.f32 v10, v10  }
0x6a: {  	s29 =	sadd.s32 $0x1, s29;
	v11 =	vmul.f32 v11, v11;
	v58 =	vsub.f32 v19, v21;
	v59 =	vsub.f32 v20, v22  }
0x6b: {  	v7 =	vsub.f32 v7, v12;
	p0 =	sne.s32 s29, $0x10;
	v60 =	vmul.f32 v56, v56;
	v61 =	vmul.f32 v57, v57  }
.Ltmp1:
0x6c: {  	v8 =	vsub.f32 v8, v55;
	v62 =	vmul.f32 v58, v58;
	v63 =	vmul.f32 v59, v59;
	(pc) =	sbr.rel @p0 .LBB2_2-.Ltmp1, $4  }
0x6d: {  	v7 =	vmul.f32 v7, v7;
	v6 =	vadd.f32 v60, v6;
	v5 =	vadd.f32 v61, v5  }
0x6e: {  	v4 =	vadd.f32 v62, v4;
	v8 =	vmul.f32 v8, v8;
	v3 =	vadd.f32 v63, v3  }
0x6f: {  	v6 =	vadd.f32 v10, v6;
	v5 =	vadd.f32 v11, v5  }
0x70: {  	s28 =	sadd.s32 $0x200, s28;
	s26 =	sadd.s32 $0x1, s26;
	v4 =	vadd.f32 v7, v4;
	v3 =	vadd.f32 v8, v3  }
0x71: {  	v7 =	vld [tilespmem:$0x20];
	_ =	sdelay $0x4  }
0x72: {  	v8 =	vshll.u32 v7, $0x2  }
0x73: {  	v7 =	vand.u32 $0x7, v7;
	v8 =	vand.u32 $0xFFFFFFE0, v8  }
0x74: {  	v7 =	vor.u32 v7, v8  }
0x75: {  	v8 =	vperm.xlane v7, v0;
	_ =	sdelay $0x1  }
0x76: {  	v8 =	vadd.s32 v1, v8;
	_ =	sdelay $0x1  }
0x77: {  	v7 =	vperm.xlane v7, v2;
	_ =	sdelay $0x1  }
0x78: {  	s26 =	simm.s32 $0x0;
	v7 =	vadd.s32 v1, v7  }
0x79: {  	[tilespmem:s12], [sflag:$0x1] =	stream.indirect_vreg.gather [hbm4b:s2+s26], $0x80, v8, vm0, $0xb8;
	[tilespmem:$0x8100] =	vst v63  }
0x7a: {  	_ = 	snop  }
0x7b: {  	[tilespmem:s13], [sflag:$0x1] =	stream.indirect_vreg.gather [hbm4b:s5+s26], $0x80, v8, vm0, $0xb8;
	[tilespmem:$0x8100] =	vst v63  }
0x7c: {  	_ = 	snop  }
0x7d: {  	[tilespmem:s14], [sflag:$0x1] =	stream.indirect_vreg.gather [hbm4b:s2+s26], $0x80, v7, vm0, $0xb8;
	[tilespmem:$0x8100] =	vst v63  }
0x7e: {  	_ = 	snop  }
0x7f: {  	[tilespmem:s15], [sflag:$0x1] =	stream.indirect_vreg.gather [hbm4b:s5+s26], $0x80, v7, vm0, $0xb8;
	[tilespmem:$0x8100] =	vst v63  }
0x80: {  	_ = 	snop  }
0x81: {  	[tilespmem:s16], [sflag:$0x1] =	stream.linear.gather [hbm4b:s8+s26], $0x2000, $0x38;
	[tilespmem:$0x8100] =	vst v63  }
0x82: {  	_ =	swait.ge [sflag:s23], $0x2000  }
0x83: {  	[sflag:s23] =	ssyncset.done $0x0  }
0x84: {  	[sflag:s23] =	ssyncadd.s32 $0xFFFFE000  }
0x85: {  	_ =	swait.ge [sflag:s23], $0x2000  }
0x86: {  	[sflag:s23] =	ssyncset.done $0x0  }
0x87: {  	s28 =	simm.s32 $0x0;
	s29 =	simm.s32 $0x0;
	[sflag:s23] =	ssyncadd.s32 $0xFFFFE000  }
.LBB2_6:
0x88: {  	s30 =	sshll.u32 s28, $0x2;
	s31 =	sand.u32 $0x7, s26  }
0x89: {  	s30 =	sand.u32 $0xFFFFC000, s30;
	s31 =	sshll.u32 s31, $0x9  }
0x8a: {  	s30 =	sor.u32 s31, s30  }
0x8b: {  	s30 =	sshrl.u32 s30, $0x2  }
0x8c: {  	s31 =	sadd.s32 $0x2080, s30  }
0x8d: {  	s30 =	sadd.s32 $0x60F0, s30;
	v8 =	vmov s31  }
0x8e: {  	v9 =	vmov s30;
	_ =	sdelay $0x2  }
0x8f: {  	s30 =	simm.s32 $0x0  }
0x90: {  	v10 =	vld.idx.msk [tilespmem:v8+s30+$0x40 ss:$0x1], $0xffff  }
0x91: {  	v13 =	vld.idx.msk [tilespmem:v9+s30+$0xFFFFFFD0 ss:$0x1], $0xffff  }
0x92: {  	v11 =	vld.idx.msk [tilespmem:v8+s30+$0x50 ss:$0x1], $0xffff  }
0x93: {  	v14 =	vld.idx.msk [tilespmem:v9+s30+$0xFFFFFFE0 ss:$0x1], $0xffff  }
0x94: {  	v7 =	vld.idx.msk [tilespmem:v8+s30+$0x60 ss:$0x1], $0xffff  }
0x95: {  	v12 =	vld.idx.msk [tilespmem:v9+s30+$0xFFFFFFF0 ss:$0x1], $0xffff  }
0x96: {  	v15 =	vld.idx.msk [tilespmem:v8+s30+$0x0 ss:$0x1], $0xffff  }
0x97: {  	v16 =	vld.idx.msk [tilespmem:v9+s30+$0xFFFFFF90 ss:$0x1], $0xffff  }
0x98: {  	v17 =	vld.idx.msk [tilespmem:v8+s30+$0x10 ss:$0x1], $0xffff  }
0x99: {  	v18 =	vld.idx.msk [tilespmem:v9+s30+$0xFFFFFFA0 ss:$0x1], $0xffff  }
0x9a: {  	v19 =	vld.idx.msk [tilespmem:v8+s30+$0x20 ss:$0x1], $0xffff  }
0x9b: {  	v21 =	vld.idx.msk [tilespmem:v9+s30+$0xFFFFFFB0 ss:$0x1], $0xffff  }
0x9c: {  	s31 =	simm.s32 $0x1000;
	v20 =	vld.idx.msk [tilespmem:v8+s30+$0x30 ss:$0x1], $0xffff  }
.LBB2_7:
0x9d: {  	p0 =	sne.s32 s31, $0x3000;
	v22 =	vld.idx.msk [tilespmem:v9+s30+$0xFFFFFFC0 ss:$0x1], $0xffff  }
0x9e: {  	v23 =	vld.idx.msk [tilespmem:v8+s30+$0x70 ss:$0x1], $0xffff  }
0x9f: {  	v24 =	vld.idx.msk [tilespmem:v9+s30+$0x0 ss:$0x1], $0xffff;
	s30 =	sshra.s32 s31, $0x2  }
0xa0: {  	v25 =	vsub.f32 v10, v13;
	v10 =	vld.idx.msk [tilespmem:v8+s30+$0x40 ss:$0x1], $0xffff  }
0xa1: {  	v15 =	vsub.f32 v15, v16;
	v16 =	vsub.f32 v11, v14;
	v13 =	vld.idx.msk [tilespmem:v9+s30+$0xFFFFFFD0 ss:$0x1], $0xffff  }
0xa2: {  	v17 =	vsub.f32 v17, v18;
	v18 =	vsub.f32 v19, v21;
	v11 =	vld.idx.msk [tilespmem:v8+s30+$0x50 ss:$0x1], $0xffff  }
0xa3: {  	v21 =	vmul.f32 v16, v16;
	v19 =	vsub.f32 v20, v22;
	v20 =	vmul.f32 v25, v25;
	v14 =	vld.idx.msk [tilespmem:v9+s30+$0xFFFFFFE0 ss:$0x1], $0xffff  }
0xa4: {  	v16 =	vsub.f32 v7, v12;
	v17 =	vmul.f32 v17, v17;
	v22 =	vmul.f32 v15, v15;
	v7 =	vld.idx.msk [tilespmem:v8+s30+$0x60 ss:$0x1], $0xffff  }
0xa5: {  	v18 =	vmul.f32 v18, v18;
	v23 =	vsub.f32 v23, v24;
	v19 =	vmul.f32 v19, v19;
	v12 =	vld.idx.msk [tilespmem:v9+s30+$0xFFFFFFF0 ss:$0x1], $0xffff  }
0xa6: {  	v5 =	vadd.f32 v17, v5;
	v6 =	vadd.f32 v22, v6;
	v22 =	vmul.f32 v16, v16;
	v15 =	vld.idx.msk [tilespmem:v8+s30+$0x0 ss:$0x1], $0xffff  }
0xa7: {  	v4 =	vadd.f32 v18, v4;
	v3 =	vadd.f32 v19, v3;
	v19 =	vmul.f32 v23, v23;
	v16 =	vld.idx.msk [tilespmem:v9+s30+$0xFFFFFF90 ss:$0x1], $0xffff  }
.Ltmp2:
0xa8: {  	v5 =	vadd.f32 v21, v5;
	v6 =	vadd.f32 v20, v6;
	v17 =	vld.idx.msk [tilespmem:v8+s30+$0x10 ss:$0x1], $0xffff;
	(pc) =	sbr.rel @p0 .LBB2_7-.Ltmp2, $4  }
0xa9: {  	v4 =	vadd.f32 v22, v4;
	v3 =	vadd.f32 v19, v3;
	v18 =	vld.idx.msk [tilespmem:v9+s30+$0xFFFFFFA0 ss:$0x1], $0xffff  }
0xaa: {  	v19 =	vld.idx.msk [tilespmem:v8+s30+$0x20 ss:$0x1], $0xffff  }
0xab: {  	v21 =	vld.idx.msk [tilespmem:v9+s30+$0xFFFFFFB0 ss:$0x1], $0xffff  }
0xac: {  	s31 =	sadd.s32 $0x1000, s31;
	v20 =	vld.idx.msk [tilespmem:v8+s30+$0x30 ss:$0x1], $0xffff  }
0xad: {  	_ =	sdelay $0x3  }
0xae: {  	v22 =	vld.idx.msk [tilespmem:v9+s30+$0xFFFFFFC0 ss:$0x1], $0xffff  }
0xaf: {  	v8 =	vld.idx.msk [tilespmem:v8+s30+$0x70 ss:$0x1], $0xffff  }
0xb0: {  	v55 =	vld.idx.msk [tilespmem:v9+s30+$0x0 ss:$0x1], $0xffff;
	v10 =	vsub.f32 v10, v13  }
0xb1: {  	v11 =	vsub.f32 v11, v14  }
0xb2: {  	v56 =	vsub.f32 v15, v16;
	v57 =	vsub.f32 v17, v18;
	v10 =	vmul.f32 v10, v10  }
0xb3: {  	s29 =	sadd.s32 $0x1, s29;
	v11 =	vmul.f32 v11, v11;
	v58 =	vsub.f32 v19, v21;
	v59 =	vsub.f32 v20, v22  }
0xb4: {  	v7 =	vsub.f32 v7, v12;
	p0 =	sne.s32 s29, $0x10;
	v60 =	vmul.f32 v56, v56;
	v61 =	vmul.f32 v57, v57  }
.Ltmp3:
0xb5: {  	v8 =	vsub.f32 v8, v55;
	v62 =	vmul.f32 v58, v58;
	v63 =	vmul.f32 v59, v59;
	(pc) =	sbr.rel @p0 .LBB2_6-.Ltmp3, $4  }
0xb6: {  	v7 =	vmul.f32 v7, v7;
	v6 =	vadd.f32 v60, v6;
	v5 =	vadd.f32 v61, v5  }
0xb7: {  	v4 =	vadd.f32 v62, v4;
	v8 =	vmul.f32 v8, v8;
	v3 =	vadd.f32 v63, v3  }
0xb8: {  	v6 =	vadd.f32 v10, v6;
	v5 =	vadd.f32 v11, v5  }
0xb9: {  	s28 =	sadd.s32 $0x200, s28;
	s26 =	sadd.s32 $0x1, s26;
	v4 =	vadd.f32 v7, v4;
	v3 =	vadd.f32 v8, v3  }
0xba: {  	_ =	swait.ge [sflag:s22], $0x2000  }
0xbb: {  	[sflag:s22] =	ssyncset.done $0x0  }
0xbc: {  	[sflag:s22] =	ssyncadd.s32 $0xFFFFE000  }
0xbd: {  	_ =	swait.ge [sflag:s22], $0x2000  }
0xbe: {  	s26 =	simm.s32 $0x0;
	[sflag:s22] =	ssyncset.done $0x0  }
0xbf: {  	s28 =	simm.s32 $0x0;
	s29 =	simm.s32 $0x0;
	[sflag:s22] =	ssyncadd.s32 $0xFFFFE000  }
.LBB2_10:
0xc0: {  	s30 =	sshll.u32 s28, $0x2;
	s31 =	sand.u32 $0x7, s26  }
0xc1: {  	s30 =	sand.u32 $0xFFFFC000, s30;
	s31 =	sshll.u32 s31, $0x9  }
0xc2: {  	s30 =	sor.u32 s31, s30  }
0xc3: {  	s30 =	sshrl.u32 s30, $0x2  }
0xc4: {  	s31 =	sadd.s32 $0xC0, s30  }
0xc5: {  	s30 =	sadd.s32 $0x40F0, s30;
	v8 =	vmov s31  }
0xc6: {  	v9 =	vmov s30;
	_ =	sdelay $0x2  }
0xc7: {  	s30 =	simm.s32 $0x0  }
0xc8: {  	v10 =	vld.idx.msk [tilespmem:v8+s30+$0x0 ss:$0x1], $0xffff  }
0xc9: {  	v13 =	vld.idx.msk [tilespmem:v9+s30+$0xFFFFFFD0 ss:$0x1], $0xffff  }
0xca: {  	v11 =	vld.idx.msk [tilespmem:v8+s30+$0x10 ss:$0x1], $0xffff  }
0xcb: {  	v14 =	vld.idx.msk [tilespmem:v9+s30+$0xFFFFFFE0 ss:$0x1], $0xffff  }
0xcc: {  	v7 =	vld.idx.msk [tilespmem:v8+s30+$0x20 ss:$0x1], $0xffff  }
0xcd: {  	v12 =	vld.idx.msk [tilespmem:v9+s30+$0xFFFFFFF0 ss:$0x1], $0xffff  }
0xce: {  	v15 =	vld.idx.msk [tilespmem:v8+s30+$0xFFFFFFC0 ss:$0x1], $0xffff  }
0xcf: {  	v16 =	vld.idx.msk [tilespmem:v9+s30+$0xFFFFFF90 ss:$0x1], $0xffff  }
0xd0: {  	v17 =	vld.idx.msk [tilespmem:v8+s30+$0xFFFFFFD0 ss:$0x1], $0xffff  }
0xd1: {  	v18 =	vld.idx.msk [tilespmem:v9+s30+$0xFFFFFFA0 ss:$0x1], $0xffff  }
0xd2: {  	v19 =	vld.idx.msk [tilespmem:v8+s30+$0xFFFFFFE0 ss:$0x1], $0xffff  }
0xd3: {  	v21 =	vld.idx.msk [tilespmem:v9+s30+$0xFFFFFFB0 ss:$0x1], $0xffff  }
0xd4: {  	s31 =	simm.s32 $0x1000;
	v20 =	vld.idx.msk [tilespmem:v8+s30+$0xFFFFFFF0 ss:$0x1], $0xffff  }
.LBB2_11:
0xd5: {  	p0 =	sne.s32 s31, $0x3000;
	v22 =	vld.idx.msk [tilespmem:v9+s30+$0xFFFFFFC0 ss:$0x1], $0xffff  }
0xd6: {  	v23 =	vld.idx.msk [tilespmem:v8+s30+$0x30 ss:$0x1], $0xffff  }
0xd7: {  	v24 =	vld.idx.msk [tilespmem:v9+s30+$0x0 ss:$0x1], $0xffff;
	s30 =	sshra.s32 s31, $0x2  }
0xd8: {  	v25 =	vsub.f32 v10, v13;
	v10 =	vld.idx.msk [tilespmem:v8+s30+$0x0 ss:$0x1], $0xffff  }
0xd9: {  	v15 =	vsub.f32 v15, v16;
	v16 =	vsub.f32 v11, v14;
	v13 =	vld.idx.msk [tilespmem:v9+s30+$0xFFFFFFD0 ss:$0x1], $0xffff  }
0xda: {  	v17 =	vsub.f32 v17, v18;
	v18 =	vsub.f32 v19, v21;
	v11 =	vld.idx.msk [tilespmem:v8+s30+$0x10 ss:$0x1], $0xffff  }
0xdb: {  	v21 =	vmul.f32 v16, v16;
	v19 =	vsub.f32 v20, v22;
	v20 =	vmul.f32 v25, v25;
	v14 =	vld.idx.msk [tilespmem:v9+s30+$0xFFFFFFE0 ss:$0x1], $0xffff  }
0xdc: {  	v16 =	vsub.f32 v7, v12;
	v17 =	vmul.f32 v17, v17;
	v22 =	vmul.f32 v15, v15;
	v7 =	vld.idx.msk [tilespmem:v8+s30+$0x20 ss:$0x1], $0xffff  }
0xdd: {  	v18 =	vmul.f32 v18, v18;
	v23 =	vsub.f32 v23, v24;
	v19 =	vmul.f32 v19, v19;
	v12 =	vld.idx.msk [tilespmem:v9+s30+$0xFFFFFFF0 ss:$0x1], $0xffff  }
0xde: {  	v5 =	vadd.f32 v17, v5;
	v6 =	vadd.f32 v22, v6;
	v22 =	vmul.f32 v16, v16;
	v15 =	vld.idx.msk [tilespmem:v8+s30+$0xFFFFFFC0 ss:$0x1], $0xffff  }
0xdf: {  	v4 =	vadd.f32 v18, v4;
	v3 =	vadd.f32 v19, v3;
	v19 =	vmul.f32 v23, v23;
	v16 =	vld.idx.msk [tilespmem:v9+s30+$0xFFFFFF90 ss:$0x1], $0xffff  }
.Ltmp4:
0xe0: {  	v5 =	vadd.f32 v21, v5;
	v6 =	vadd.f32 v20, v6;
	v17 =	vld.idx.msk [tilespmem:v8+s30+$0xFFFFFFD0 ss:$0x1], $0xffff;
	(pc) =	sbr.rel @p0 .LBB2_11-.Ltmp4, $4  }
0xe1: {  	v4 =	vadd.f32 v22, v4;
	v3 =	vadd.f32 v19, v3;
	v18 =	vld.idx.msk [tilespmem:v9+s30+$0xFFFFFFA0 ss:$0x1], $0xffff  }
0xe2: {  	v19 =	vld.idx.msk [tilespmem:v8+s30+$0xFFFFFFE0 ss:$0x1], $0xffff  }
0xe3: {  	v21 =	vld.idx.msk [tilespmem:v9+s30+$0xFFFFFFB0 ss:$0x1], $0xffff  }
0xe4: {  	s31 =	sadd.s32 $0x1000, s31;
	v20 =	vld.idx.msk [tilespmem:v8+s30+$0xFFFFFFF0 ss:$0x1], $0xffff  }
0xe5: {  	_ =	sdelay $0x3  }
0xe6: {  	v22 =	vld.idx.msk [tilespmem:v9+s30+$0xFFFFFFC0 ss:$0x1], $0xffff  }
0xe7: {  	v8 =	vld.idx.msk [tilespmem:v8+s30+$0x30 ss:$0x1], $0xffff  }
0xe8: {  	v55 =	vld.idx.msk [tilespmem:v9+s30+$0x0 ss:$0x1], $0xffff;
	v10 =	vsub.f32 v10, v13  }
0xe9: {  	v11 =	vsub.f32 v11, v14  }
0xea: {  	v56 =	vsub.f32 v15, v16;
	v57 =	vsub.f32 v17, v18;
	v10 =	vmul.f32 v10, v10  }
0xeb: {  	s29 =	sadd.s32 $0x1, s29;
	v11 =	vmul.f32 v11, v11;
	v58 =	vsub.f32 v19, v21;
	v59 =	vsub.f32 v20, v22  }
0xec: {  	v7 =	vsub.f32 v7, v12;
	p0 =	sne.s32 s29, $0x10;
	v60 =	vmul.f32 v56, v56;
	v61 =	vmul.f32 v57, v57  }
.Ltmp5:
0xed: {  	v8 =	vsub.f32 v8, v55;
	v62 =	vmul.f32 v58, v58;
	v63 =	vmul.f32 v59, v59;
	(pc) =	sbr.rel @p0 .LBB2_10-.Ltmp5, $4  }
0xee: {  	v7 =	vmul.f32 v7, v7;
	v6 =	vadd.f32 v60, v6;
	v5 =	vadd.f32 v61, v5  }
0xef: {  	v4 =	vadd.f32 v62, v4;
	v8 =	vmul.f32 v8, v8;
	v3 =	vadd.f32 v63, v3  }
0xf0: {  	v6 =	vadd.f32 v10, v6;
	v5 =	vadd.f32 v11, v5  }
0xf1: {  	s28 =	sadd.s32 $0x200, s28;
	s26 =	sadd.s32 $0x1, s26;
	v4 =	vadd.f32 v7, v4;
	v3 =	vadd.f32 v8, v3  }
0xf2: {  	_ = 	snop  }
0xf3: {  	v5 =	vadd.f32 v5, v6;
	v3 =	vadd.f32 v3, v4;
	_ =	sdelay $0x1  }
0xf4: {  	s25 =	sadd.s32 $0x1, s25;
	v3 =	vadd.f32 v3, v5  }
0xf5: {  	p0 =	sne.s32 s25, s10  }
.Ltmp6:
0xf6: {  	[tilespmem:$0x8080] =	vst v3;
	(pc) =	sbr.rel @p0 .LBB2_1-.Ltmp6, $4  }
0xf7: {  	[hbm4b:s9+s3] =	stream.linear.scatter [tilespmem:s24], [sflag:$0x3], $0x80, $0x38;
	[tilespmem:$0x8100] =	vst v63  }
0xf8: {  	_ =	swait.ge [sflag:s11], $0x80  }
0xf9: {  	[sflag:s11] =	ssyncset.done $0x0  }
0xfa: {  	[sflag:s11] =	ssyncadd.s32 $0xFFFFFF80  }
0xfb: {  	_ =	sfence.sel $0x180000  }
0xfc: {  	[bflag:$0x0] =	sbarrier.arrive $0xFFFF  }
0xfd: {  	p0 =	sne.s32 s1, $0x0;
	_ =	strace $0x90000047  }
0xfe: {  	s0 =	sadd.s32 @!p0 $0x100000, s0;
	[bflag:$0x2] =	sbarrier.arrive $0xFFFF  }
0xff: {  	[sflag:s0] =	ssyncadd.tile.s32 @!p0 $0x1;
	_ =	shalt  }
.Lfunc_end2:
_tile_overlayer_lowered:
.L_overlay_start_2:
0x100: {  	(tag) =	ssettag $0x2  }
0x101: {  	s0 =	rddreg [dreg:$0x0];
	s2 =	stileid.u32  }
0x102: {  	s1 =	rddreg [dreg:$0x1];
	p0 =	sne.s32 s2, $0x0  }
0x103: {  	s3 =	rddreg [dreg:$0x2];
	[bflag:$0x3] =	sbarrier.arrive $0xFFFF;
	s2 =	simm.s32 @!p0 $0x1C03  }
0x104: {  	[timem:s3], [sflag:s2] =	dma.local @!p0 [hbm:s0], s1  }
0x105: {  	s0 =	simm.s32 @!p0 $0x3  }
0x106: {  	_ =	swait.ge @!p0 [sflag:s0], s1  }
0x107: {  	s1 =	ssub.s32 @!p0 $0x0, s1;
	[sflag:s0] =	ssyncset.done @!p0 $0x0  }
0x108: {  	[sflag:s0] =	ssyncadd.s32 @!p0 s1  }
0x109: {  	[bflag:$0x3] =	sbarrier.arrive $0xFFFF  }
0x10a: {  	_ =	shalt  }

</sc_bundles>
